<compile_context>
chip_gen: v7x
topology: tpu7x:2x2x1
jax: 0.10.2.dev20260603
libtpu: 0.0.44.dev20260713+nightly
codegen_flags: <defaults>
</compile_context>

<pallas_src>
import dataclasses
import functools

import jax
import jax.numpy as jnp
from jax import lax
from jax.experimental import pallas as pl
from jax.experimental.pallas import tpu as pltpu
from jax.experimental.pallas import tpu_sc as plsc

_N = 8 * 512 * 512
_ROWS = 4096
_COLS = 512

_SC_ROWS = 256
_SC_BLK_ROWS = 8
_SC_GRID = _SC_ROWS // _SC_BLK_ROWS
_SC_OFF = (_ROWS - _SC_ROWS) // _SC_BLK_ROWS

_TC_ROWS = _ROWS - _SC_ROWS
_TC_STEPS = 2
_TC_BLK_ROWS = _TC_ROWS // _TC_STEPS

_NW = 32
_L = 16

_LN2 = 0.6931471805599453
_SQRT2 = 1.4142135623730951


def _softlog(x):
    xi = plsc.bitcast(x, jnp.int32)
    e = (xi >> 23) - 127
    m = plsc.bitcast((xi & 0x7FFFFF) | 0x3F800000, jnp.float32)
    big = m > _SQRT2
    m = jnp.where(big, m * 0.5, m)
    e = jnp.where(big, e + 1, e)
    s = (m - 1.0) / (m + 1.0)
    s2 = s * s
    poly = 2.0 * s * (1.0 + s2 * (1 / 3 + s2 * (1 / 5 + s2 * (1 / 7 + s2 * (1 / 9)))))
    return e.astype(jnp.float32) * _LN2 + poly


def _focal_vec(xv, tv):
    p = 1.0 / (1.0 + jnp.exp(-xv))
    prob = jnp.where(tv == 1, p, 1.0 - p)
    prob = jnp.clip(prob, 1e-8, 1.0 - 1e-8)
    om = 1.0 - prob
    return om * om * (-_softlog(prob))


def _sc_body(x_hbm, t_hbm, o_hbm, acc_v, sem):
    acc_v[...] = jnp.zeros((_L,), jnp.float32)

    def body(x_vmem, t_vmem):
        @pl.loop(0, _SC_BLK_ROWS)
        def _(r):
            @pl.loop(0, _COLS, step=_L)
            def _(c):
                xv = x_vmem[r, pl.ds(c, _L)]
                tv = t_vmem[r, pl.ds(c, _L)]
                acc_v[...] = acc_v[...] + _focal_vec(xv, tv)

    pltpu.emit_pipeline(
        body,
        grid=(_SC_GRID,),
        in_specs=[
            pl.BlockSpec((_SC_BLK_ROWS, _COLS), lambda i: (i + _SC_OFF, 0)),
            pl.BlockSpec((_SC_BLK_ROWS, _COLS), lambda i: (i + _SC_OFF, 0)),
        ],
        core_axis_name=("c", "s"),
        dimension_semantics=(pltpu.PARALLEL,),
    )(x_hbm, t_hbm)

    wid = lax.axis_index("s") * 2 + lax.axis_index("c")
    pltpu.sync_copy(acc_v, o_hbm.at[pl.ds(wid * _L, _L)])


_sc_compiler_params = pltpu.CompilerParams()
if "needs_layout_passes" in pltpu.CompilerParams.__dataclass_fields__:
    _sc_compiler_params = dataclasses.replace(
        _sc_compiler_params, needs_layout_passes=False
    )

_sc_call = functools.partial(
    pl.kernel,
    out_type=jax.ShapeDtypeStruct((_NW * _L,), jnp.float32),
    mesh=plsc.VectorSubcoreMesh(core_axis_name="c", subcore_axis_name="s"),
    scratch_types=[pltpu.VMEM((_L,), jnp.float32), pltpu.SemaphoreType.DMA],
    compiler_params=_sc_compiler_params,
)(_sc_body)


def _tc_body(x_ref, t_ref, o_ref):
    i = pl.program_id(0)
    x = x_ref[...]
    t = t_ref[...]
    p = jax.nn.sigmoid(x)
    prob = jnp.where(t == 1, p, 1.0 - p)
    prob = jnp.clip(prob, 1e-8, 1.0 - 1e-8)
    om = 1.0 - prob
    s = jnp.sum(om * om * (-jnp.log(prob)))

    @pl.when(i == 0)
    def _():
        o_ref[0, 0] = s

    @pl.when(i > 0)
    def _():
        o_ref[0, 0] = o_ref[0, 0] + s


def kernel(logit, target):
    x = logit.reshape(_ROWS, _COLS)
    t = target.reshape(_ROWS, _COLS).astype(jnp.int32)
    sc_part = _sc_call(x, t)
    tc_part = pl.pallas_call(
        _tc_body,
        grid=(_TC_STEPS,),
        in_specs=[
            pl.BlockSpec((_TC_BLK_ROWS, _COLS), lambda i: (i, 0)),
            pl.BlockSpec((_TC_BLK_ROWS, _COLS), lambda i: (i, 0)),
        ],
        out_specs=pl.BlockSpec(memory_space=pltpu.MemorySpace.SMEM),
        out_shape=jax.ShapeDtypeStruct((1, 1), jnp.float32),
        compiler_params=pltpu.CompilerParams(
            dimension_semantics=("arbitrary",),
        ),
    )(x, t)
    return (tc_part[0, 0] + jnp.sum(sc_part)) * (1.0 / _N)

# --- scband reference (transcript-rebuilt; emitter-appended) ---
"""Pipeline reference for scband-focal-loss2d-55336358641740 (READ-ONLY COPY).

The authoritative reference and input builder live on the scoring server;
editing this copy changes nothing except your own understanding.
"""

import jax, jax.numpy as jnp
import numpy as np

GAMMA = 2

def setup_inputs(seed: int = 0) -> dict:
    key = jax.random.key(seed)
    k1, k2 = jax.random.split(key)
    logit = jax.random.normal(k1, (8, 512, 512), dtype=jnp.float32)
    target = jax.random.randint(k2, (8, 512, 512), 0, 2, dtype=jnp.int64)
    return {"logit": logit, "target": target}

def reference(logit, target):
    # sigmoid-type focal loss, class_weight = [1, 1], size_average=True
    t = target.reshape(-1).astype(jnp.int32)
    p = jax.nn.sigmoid(logit).reshape(-1)
    prob2 = jnp.stack([1.0 - p, p], axis=1)            # [N, 2]
    select = jax.nn.one_hot(t, 2, dtype=prob2.dtype)   # scatter_(1, target, 1.0)
    class_weight = jnp.ones((2,), dtype=prob2.dtype)
    cw = jnp.take(class_weight, t, axis=0)             # gather by target
    prob = jnp.sum(prob2 * select, axis=1)
    prob = jnp.clip(prob, 1e-08, 1.0 - 1e-08)
    batch_loss = -cw * jnp.power(1.0 - prob, GAMMA) * jnp.log(prob)
    return jnp.mean(batch_loss)

if __name__ == "__main__":
    import jax
    _d = setup_inputs()
    print(jax.jit(kernel)(*tuple(_d.values())))

</pallas_src>

<mosaic_0001>
#map = affine_map<(d0, d1) -> (0, 0)>
#map1 = affine_map<(d0, d1) -> (0)>
module attributes {stable_mosaic.version = 14 : i64} {
  func.func @_sc_body(%arg0: i32, %arg1: i32, %arg2: memref<4096x512xf32, #tpu.memory_space<hbm>>, %arg3: memref<4096x512xi32, #tpu.memory_space<hbm>>, %arg4: memref<512xf32, #tpu.memory_space<hbm>>, %arg5: memref<16xf32, #tpu.memory_space<vmem>>, %arg6: memref<!tpu.dma_semaphore, #tpu.memory_space<semaphore_mem>>) attributes {dimension_semantics = [#tpu.dimension_semantics<core_parallel>, #tpu.dimension_semantics<subcore_parallel>], iteration_bounds = array<i64: 2, 16>, scalar_prefetch = 0 : i64, scratch_operands = 2 : i64, tpu.core_type = #tpu.core_type<sc_vector_subcore>, window_params = [{transform_indices = #map}, {transform_indices = #map}, {transform_indices = #map1}]} {
    %broadcast_in_dim3A = arith.constant 0.000000e+00 : f32
    %broadcast_in_dim3A_0 = vector.broadcast %broadcast_in_dim3A : f32 to vector<16xf32>
    %swap3A = arith.constant 0 : index
    %swap3A_1 = tpu.vector_load %arg5[%swap3A] {strides = array<i32>} : memref<16xf32, #tpu.memory_space<vmem>>, vector<16xf32>,
    tpu.vector_store %arg5[%swap3A], %broadcast_in_dim3A_0 {strides = array<i32>} : memref<16xf32, #tpu.memory_space<vmem>>, vector<16xf32>,
    %mul3A = arith.constant 1 : i32
    %mul3A_2 = arith.muli %arg1, %mul3A : i32
    %add3A = arith.constant 0 : i32
    %add3A_3 = arith.addi %add3A, %mul3A_2 : i32
    %mul3A_4 = arith.constant 16 : i32
    %mul3A_5 = arith.muli %arg0, %mul3A_4 : i32
    %add3A_6 = arith.addi %add3A_3, %mul3A_5 : i32
    %mul3A_7 = arith.constant 1 : i32
    %mul3A_8 = arith.muli %add3A_6, %mul3A_7 : i32
    "tpu.region"() ({
      %run_scoped3A = memref.alloca() : memref<2x8x512xf32, #tpu.memory_space<vmem>>
      %run_scoped3A_14 = tpu.sem_alloc : memref<2x!tpu.dma_semaphore, #tpu.memory_space<semaphore_mem>>
      %run_scoped3A_15 = memref.alloca() : memref<2x8x512xi32, #tpu.memory_space<vmem>>
      %run_scoped3A_16 = tpu.sem_alloc : memref<2x!tpu.dma_semaphore, #tpu.memory_space<semaphore_mem>>
      %add3A_17 = arith.constant 0 : i32
      %add3A_18 = arith.addi %add3A_17, %mul3A_8 : i32
      %select_n3A = arith.constant true
      %select_n3A_19 = arith.constant 0 : i32
      %select_n3A_20 = arith.constant -1 : i32
      %select_n3A_21 = arith.select %select_n3A, %select_n3A_20, %select_n3A_19 : i32
      %eq3A = arith.constant -1 : i32
      %eq3A_22 = arith.cmpi eq, %select_n3A_21, %eq3A : i32
      %select_n3A_23 = arith.constant 0 : i32
      %select_n3A_24 = arith.select %eq3A_22, %select_n3A_23, %select_n3A_21 : i32
      %add3A_25 = arith.constant 0 : i32
      %add3A_26 = arith.addi %add3A_25, %mul3A_8 : i32
      %select_n3A_27 = arith.constant true
      %select_n3A_28 = arith.constant 0 : i32
      %select_n3A_29 = arith.constant 1 : i32
      %select_n3A_30 = arith.select %select_n3A_27, %select_n3A_29, %select_n3A_28 : i32
      %eq3A_31 = arith.constant 1 : i32
      %eq3A_32 = arith.cmpi eq, %select_n3A_30, %eq3A_31 : i32
      %select_n3A_33 = arith.constant 0 : i32
      %select_n3A_34 = arith.select %eq3A_32, %select_n3A_33, %select_n3A_30 : i32
      %add3A_35 = arith.constant 0 : i32
      %add3A_36 = arith.addi %add3A_35, %mul3A_8 : i32
      %select_n3A_37 = arith.constant true
      %select_n3A_38 = arith.constant 0 : i32
      %select_n3A_39 = arith.constant 1 : i32
      %select_n3A_40 = arith.select %select_n3A_37, %select_n3A_39, %select_n3A_38 : i32
      %eq3A_41 = arith.constant 1 : i32
      %eq3A_42 = arith.cmpi eq, %select_n3A_40, %eq3A_41 : i32
      %select_n3A_43 = arith.constant 0 : i32
      %select_n3A_44 = arith.select %eq3A_42, %select_n3A_43, %select_n3A_40 : i32
      %add3A_45 = arith.constant 0 : i32
      %add3A_46 = arith.addi %add3A_45, %mul3A_8 : i32
      "tpu.trace_start"() <{level = 10 : i32, message = "ep_initialize_0"}> : () -> ()
      %rem3A = arith.constant 0 : i32
      %rem3A_47 = arith.constant 2 : i32
      %rem3A_48 = arith.remui %rem3A, %rem3A_47 : i32
      %add3A_49 = arith.constant 480 : i32
      %add3A_50 = arith.addi %add3A_18, %add3A_49 : i32
      %mul3A_51 = arith.constant 8 : i32
      %mul3A_52 = arith.muli %mul3A_51, %add3A_50 : i32
      %dma_start3A = arith.constant 0 : i32
      %dma_start3A_53 = arith.constant 0 : i32
      %dma_start3A_54 = tpu.memref_slice %run_scoped3A[%rem3A_48, %dma_start3A, %dma_start3A_53] : memref<2x8x512xf32, #tpu.memory_space<vmem>> -> memref<1x8x512xf32, #tpu.memory_space<vmem>>
      %dma_start3A_55 = tpu.memref_squeeze %dma_start3A_54 : memref<1x8x512xf32, #tpu.memory_space<vmem>> -> memref<8x512xf32, #tpu.memory_space<vmem>>
      %dma_start3A_56 = arith.constant 0 : i32
      %dma_start3A_57 = tpu.memref_slice %arg2[%mul3A_52, %dma_start3A_56] : memref<4096x512xf32, #tpu.memory_space<hbm>> -> memref<8x512xf32, #tpu.memory_space<hbm>>
      %dma_start3A_58 = tpu.memref_slice %run_scoped3A_14[%rem3A_48] : memref<2x!tpu.dma_semaphore, #tpu.memory_space<semaphore_mem>> -> memref<1x!tpu.dma_semaphore, #tpu.memory_space<semaphore_mem>>
      %dma_start3A_59 = tpu.memref_squeeze %dma_start3A_58 : memref<1x!tpu.dma_semaphore, #tpu.memory_space<semaphore_mem>> -> memref<!tpu.dma_semaphore, #tpu.memory_space<semaphore_mem>>
      %dma_start3A_60 = arith.constant 0 : i32
      %dma_start3A_61 = arith.constant 0 : i32
      %dma_start3A_62 = tpu.memref_slice %run_scoped3A[%rem3A_48, %dma_start3A_60, %dma_start3A_61] : memref<2x8x512xf32, #tpu.memory_space<vmem>> -> memref<1x8x512xf32, #tpu.memory_space<vmem>>
      %dma_start3A_63 = tpu.memref_squeeze %dma_start3A_62 : memref<1x8x512xf32, #tpu.memory_space<vmem>> -> memref<8x512xf32, #tpu.memory_space<vmem>>
      %dma_start3A_64 = arith.constant 0 : i32
      %dma_start3A_65 = tpu.memref_slice %arg2[%mul3A_52, %dma_start3A_64] : memref<4096x512xf32, #tpu.memory_space<hbm>> -> memref<8x512xf32, #tpu.memory_space<hbm>>
      tpu.enqueue_dma source(%dma_start3A_65 : memref<8x512xf32, #tpu.memory_space<hbm>>) target(%dma_start3A_63 : memref<8x512xf32, #tpu.memory_space<vmem>>) target_semaphore(%dma_start3A_59 : memref<!tpu.dma_semaphore, #tpu.memory_space<semaphore_mem>>)
      %add3A_66 = arith.constant 0 : i32
      %add3A_67 = arith.constant 1 : i32
      %add3A_68 = arith.addi %add3A_66, %add3A_67 : i32
      %select_n3A_69 = arith.constant true
      %select_n3A_70 = arith.constant 0 : i32
      %select_n3A_71 = arith.select %select_n3A_69, %add3A_68, %select_n3A_70 : i32
      %rem3A_72 = arith.constant 0 : i32
      %rem3A_73 = arith.constant 2 : i32
      %rem3A_74 = arith.remui %rem3A_72, %rem3A_73 : i32
      %add3A_75 = arith.constant 480 : i32
      %add3A_76 = arith.addi %add3A_18, %add3A_75 : i32
      %mul3A_77 = arith.constant 8 : i32
      %mul3A_78 = arith.muli %mul3A_77, %add3A_76 : i32
      %dma_start3A_79 = arith.constant 0 : i32
      %dma_start3A_80 = arith.constant 0 : i32
      %dma_start3A_81 = tpu.memref_slice %run_scoped3A_15[%rem3A_74, %dma_start3A_79, %dma_start3A_80] : memref<2x8x512xi32, #tpu.memory_space<vmem>> -> memref<1x8x512xi32, #tpu.memory_space<vmem>>
      %dma_start3A_82 = tpu.memref_squeeze %dma_start3A_81 : memref<1x8x512xi32, #tpu.memory_space<vmem>> -> memref<8x512xi32, #tpu.memory_space<vmem>>
      %dma_start3A_83 = arith.constant 0 : i32
      %dma_start3A_84 = tpu.memref_slice %arg3[%mul3A_78, %dma_start3A_83] : memref<4096x512xi32, #tpu.memory_space<hbm>> -> memref<8x512xi32, #tpu.memory_space<hbm>>
      %dma_start3A_85 = tpu.memref_slice %run_scoped3A_16[%rem3A_74] : memref<2x!tpu.dma_semaphore, #tpu.memory_space<semaphore_mem>> -> memref<1x!tpu.dma_semaphore, #tpu.memory_space<semaphore_mem>>
      %dma_start3A_86 = tpu.memref_squeeze %dma_start3A_85 : memref<1x!tpu.dma_semaphore, #tpu.memory_space<semaphore_mem>> -> memref<!tpu.dma_semaphore, #tpu.memory_space<semaphore_mem>>
      %dma_start3A_87 = arith.constant 0 : i32
      %dma_start3A_88 = arith.constant 0 : i32
      %dma_start3A_89 = tpu.memref_slice %run_scoped3A_15[%rem3A_74, %dma_start3A_87, %dma_start3A_88] : memref<2x8x512xi32, #tpu.memory_space<vmem>> -> memref<1x8x512xi32, #tpu.memory_space<vmem>>
      %dma_start3A_90 = tpu.memref_squeeze %dma_start3A_89 : memref<1x8x512xi32, #tpu.memory_space<vmem>> -> memref<8x512xi32, #tpu.memory_space<vmem>>
      %dma_start3A_91 = arith.constant 0 : i32
      %dma_start3A_92 = tpu.memref_slice %arg3[%mul3A_78, %dma_start3A_91] : memref<4096x512xi32, #tpu.memory_space<hbm>> -> memref<8x512xi32, #tpu.memory_space<hbm>>
      tpu.enqueue_dma source(%dma_start3A_92 : memref<8x512xi32, #tpu.memory_space<hbm>>) target(%dma_start3A_90 : memref<8x512xi32, #tpu.memory_space<vmem>>) target_semaphore(%dma_start3A_86 : memref<!tpu.dma_semaphore, #tpu.memory_space<semaphore_mem>>)
      %add3A_93 = arith.constant 0 : i32
      %add3A_94 = arith.constant 1 : i32
      %add3A_95 = arith.addi %add3A_93, %add3A_94 : i32
      %select_n3A_96 = arith.constant true
      %select_n3A_97 = arith.constant 0 : i32
      %select_n3A_98 = arith.select %select_n3A_96, %add3A_95, %select_n3A_97 : i32
      "tpu.trace_stop"() : () -> ()
      %scan3A = arith.constant 0 : i32
      %scan3A_99 = arith.constant 0 : i32
      %scan3A_100 = arith.constant 0 : i32
      %scan3A_101 = arith.constant 0 : i32
      %eq3A_102 = arith.constant 0 : i32
      %eq3A_103 = arith.cmpi eq, %scan3A_101, %eq3A_102 : i32
      %eq3A_104 = arith.constant 0 : i32
      %eq3A_105 = arith.cmpi eq, %scan3A_101, %eq3A_104 : i32
      %add3A_106 = arith.constant 0 : i32
      %add3A_107 = arith.addi %add3A_106, %mul3A_8 : i32
      %select_n3A_108 = arith.constant true
      %select_n3A_109 = arith.constant 0 : i32
      %select_n3A_110 = arith.constant -1 : i32
      %select_n3A_111 = arith.select %select_n3A_108, %select_n3A_110, %select_n3A_109 : i32
      %eq3A_112 = arith.constant -1 : i32
      %eq3A_113 = arith.cmpi eq, %select_n3A_111, %eq3A_112 : i32
      %select_n3A_114 = arith.constant 0 : i32
      %select_n3A_115 = arith.select %eq3A_113, %select_n3A_114, %select_n3A_111 : i32
      %add3A_116 = arith.constant 0 : i32
      %add3A_117 = arith.addi %add3A_116, %mul3A_8 : i32
      %select_n3A_118 = arith.constant true
      %select_n3A_119 = arith.constant 0 : i32
      %select_n3A_120 = arith.constant 1 : i32
      %select_n3A_121 = arith.select %select_n3A_118, %select_n3A_120, %select_n3A_119 : i32
      %eq3A_122 = arith.constant 1 : i32
      %eq3A_123 = arith.cmpi eq, %select_n3A_121, %eq3A_122 : i32
      %select_n3A_124 = arith.constant 0 : i32
      %select_n3A_125 = arith.select %eq3A_123, %select_n3A_124, %select_n3A_121 : i32
      %add3A_126 = arith.constant 0 : i32
      %add3A_127 = arith.addi %add3A_126, %mul3A_8 : i32
      %select_n3A_128 = arith.constant true
      %select_n3A_129 = arith.constant 0 : i32
      %select_n3A_130 = arith.constant 1 : i32
      %select_n3A_131 = arith.select %select_n3A_128, %select_n3A_130, %select_n3A_129 : i32
      %eq3A_132 = arith.constant 1 : i32
      %eq3A_133 = arith.cmpi eq, %select_n3A_131, %eq3A_132 : i32
      %select_n3A_134 = arith.constant 0 : i32
      %select_n3A_135 = arith.select %eq3A_133, %select_n3A_134, %select_n3A_131 : i32
      %add3A_136 = arith.constant 0 : i32
      %add3A_137 = arith.addi %add3A_136, %mul3A_8 : i32
      %add3A_138 = arith.constant 480 : i32
      %add3A_139 = arith.addi %add3A_107, %add3A_138 : i32
      %add3A_140 = arith.constant 480 : i32
      %add3A_141 = arith.addi %add3A_127, %add3A_140 : i32
      %ne3A = arith.cmpi ne, %add3A_139, %add3A_141 : i32
      %or3A = arith.constant false
      %or3A_142 = arith.ori %or3A, %ne3A : i1
      %or3A_143 = arith.constant false
      %or3A_144 = arith.ori %or3A_142, %or3A_143 : i1
      %ge3A = arith.constant 0 : i32
      %ge3A_145 = arith.cmpi sge, %scan3A_101, %ge3A : i32
      %not3A = arith.constant true
      %not3A_146 = arith.xori %ge3A_145, %not3A : i1
      %and3A = arith.andi %or3A_144, %not3A_146 : i1
      %convert_element_type3A = arith.extui %and3A : i1 to i32
      %cond3A = arith.constant 0 : i32
      %cond3A_147 = arith.cmpi ne, %convert_element_type3A, %cond3A : i32
      scf.if %cond3A_147 {
        "tpu.trace_start"() <{level = 10 : i32, message = "ep_copy_in"}> : () -> ()
        %rem3A_349 = arith.constant 2 : i32
        %rem3A_350 = arith.remui %select_n3A_71, %rem3A_349 : i32
        %add3A_351 = arith.constant 480 : i32
        %add3A_352 = arith.addi %add3A_127, %add3A_351 : i32
        %mul3A_353 = arith.constant 8 : i32
        %mul3A_354 = arith.muli %mul3A_353, %add3A_352 : i32
        %dma_start3A_355 = arith.constant 0 : i32
        %dma_start3A_356 = arith.constant 0 : i32
        %dma_start3A_357 = tpu.memref_slice %run_scoped3A[%rem3A_350, %dma_start3A_355, %dma_start3A_356] : memref<2x8x512xf32, #tpu.memory_space<vmem>> -> memref<1x8x512xf32, #tpu.memory_space<vmem>>
        %dma_start3A_358 = tpu.memref_squeeze %dma_start3A_357 : memref<1x8x512xf32, #tpu.memory_space<vmem>> -> memref<8x512xf32, #tpu.memory_space<vmem>>
        %dma_start3A_359 = arith.constant 0 : i32
        %dma_start3A_360 = tpu.memref_slice %arg2[%mul3A_354, %dma_start3A_359] : memref<4096x512xf32, #tpu.memory_space<hbm>> -> memref<8x512xf32, #tpu.memory_space<hbm>>
        %dma_start3A_361 = tpu.memref_slice %run_scoped3A_14[%rem3A_350] : memref<2x!tpu.dma_semaphore, #tpu.memory_space<semaphore_mem>> -> memref<1x!tpu.dma_semaphore, #tpu.memory_space<semaphore_mem>>
        %dma_start3A_362 = tpu.memref_squeeze %dma_start3A_361 : memref<1x!tpu.dma_semaphore, #tpu.memory_space<semaphore_mem>> -> memref<!tpu.dma_semaphore, #tpu.memory_space<semaphore_mem>>
        %dma_start3A_363 = arith.constant 0 : i32
        %dma_start3A_364 = arith.constant 0 : i32
        %dma_start3A_365 = tpu.memref_slice %run_scoped3A[%rem3A_350, %dma_start3A_363, %dma_start3A_364] : memref<2x8x512xf32, #tpu.memory_space<vmem>> -> memref<1x8x512xf32, #tpu.memory_space<vmem>>
        %dma_start3A_366 = tpu.memref_squeeze %dma_start3A_365 : memref<1x8x512xf32, #tpu.memory_space<vmem>> -> memref<8x512xf32, #tpu.memory_space<vmem>>
        %dma_start3A_367 = arith.constant 0 : i32
        %dma_start3A_368 = tpu.memref_slice %arg2[%mul3A_354, %dma_start3A_367] : memref<4096x512xf32, #tpu.memory_space<hbm>> -> memref<8x512xf32, #tpu.memory_space<hbm>>
        tpu.enqueue_dma source(%dma_start3A_368 : memref<8x512xf32, #tpu.memory_space<hbm>>) target(%dma_start3A_366 : memref<8x512xf32, #tpu.memory_space<vmem>>) target_semaphore(%dma_start3A_362 : memref<!tpu.dma_semaphore, #tpu.memory_space<semaphore_mem>>)
        "tpu.trace_stop"() : () -> ()
      } else {
      }
      %and3A_148 = arith.constant true
      %and3A_149 = arith.andi %and3A, %and3A_148 : i1
      %add3A_150 = arith.constant 1 : i32
      %add3A_151 = arith.addi %select_n3A_71, %add3A_150 : i32
      %select_n3A_152 = arith.select %and3A_149, %add3A_151, %select_n3A_71 : i32
      %add3A_153 = arith.constant 480 : i32
      %add3A_154 = arith.addi %add3A_107, %add3A_153 : i32
      %add3A_155 = arith.constant 480 : i32
      %add3A_156 = arith.addi %add3A_127, %add3A_155 : i32
      %ne3A_157 = arith.cmpi ne, %add3A_154, %add3A_156 : i32
      %or3A_158 = arith.constant false
      %or3A_159 = arith.ori %or3A_158, %ne3A_157 : i1
      %or3A_160 = arith.constant false
      %or3A_161 = arith.ori %or3A_159, %or3A_160 : i1
      %ge3A_162 = arith.constant 0 : i32
      %ge3A_163 = arith.cmpi sge, %scan3A_101, %ge3A_162 : i32
      %not3A_164 = arith.constant true
      %not3A_165 = arith.xori %ge3A_163, %not3A_164 : i1
      %and3A_166 = arith.andi %or3A_161, %not3A_165 : i1
      %convert_element_type3A_167 = arith.extui %and3A_166 : i1 to i32
      %cond3A_168 = arith.constant 0 : i32
      %cond3A_169 = arith.cmpi ne, %convert_element_type3A_167, %cond3A_168 : i32
      scf.if %cond3A_169 {
        "tpu.trace_start"() <{level = 10 : i32, message = "ep_copy_in"}> : () -> ()
        %rem3A_349 = arith.constant 2 : i32
        %rem3A_350 = arith.remui %select_n3A_98, %rem3A_349 : i32
        %add3A_351 = arith.constant 480 : i32
        %add3A_352 = arith.addi %add3A_127, %add3A_351 : i32
        %mul3A_353 = arith.constant 8 : i32
        %mul3A_354 = arith.muli %mul3A_353, %add3A_352 : i32
        %dma_start3A_355 = arith.constant 0 : i32
        %dma_start3A_356 = arith.constant 0 : i32
        %dma_start3A_357 = tpu.memref_slice %run_scoped3A_15[%rem3A_350, %dma_start3A_355, %dma_start3A_356] : memref<2x8x512xi32, #tpu.memory_space<vmem>> -> memref<1x8x512xi32, #tpu.memory_space<vmem>>
        %dma_start3A_358 = tpu.memref_squeeze %dma_start3A_357 : memref<1x8x512xi32, #tpu.memory_space<vmem>> -> memref<8x512xi32, #tpu.memory_space<vmem>>
        %dma_start3A_359 = arith.constant 0 : i32
        %dma_start3A_360 = tpu.memref_slice %arg3[%mul3A_354, %dma_start3A_359] : memref<4096x512xi32, #tpu.memory_space<hbm>> -> memref<8x512xi32, #tpu.memory_space<hbm>>
        %dma_start3A_361 = tpu.memref_slice %run_scoped3A_16[%rem3A_350] : memref<2x!tpu.dma_semaphore, #tpu.memory_space<semaphore_mem>> -> memref<1x!tpu.dma_semaphore, #tpu.memory_space<semaphore_mem>>
        %dma_start3A_362 = tpu.memref_squeeze %dma_start3A_361 : memref<1x!tpu.dma_semaphore, #tpu.memory_space<semaphore_mem>> -> memref<!tpu.dma_semaphore, #tpu.memory_space<semaphore_mem>>
        %dma_start3A_363 = arith.constant 0 : i32
        %dma_start3A_364 = arith.constant 0 : i32
        %dma_start3A_365 = tpu.memref_slice %run_scoped3A_15[%rem3A_350, %dma_start3A_363, %dma_start3A_364] : memref<2x8x512xi32, #tpu.memory_space<vmem>> -> memref<1x8x512xi32, #tpu.memory_space<vmem>>
        %dma_start3A_366 = tpu.memref_squeeze %dma_start3A_365 : memref<1x8x512xi32, #tpu.memory_space<vmem>> -> memref<8x512xi32, #tpu.memory_space<vmem>>
        %dma_start3A_367 = arith.constant 0 : i32
        %dma_start3A_368 = tpu.memref_slice %arg3[%mul3A_354, %dma_start3A_367] : memref<4096x512xi32, #tpu.memory_space<hbm>> -> memref<8x512xi32, #tpu.memory_space<hbm>>
        tpu.enqueue_dma source(%dma_start3A_368 : memref<8x512xi32, #tpu.memory_space<hbm>>) target(%dma_start3A_366 : memref<8x512xi32, #tpu.memory_space<vmem>>) target_semaphore(%dma_start3A_362 : memref<!tpu.dma_semaphore, #tpu.memory_space<semaphore_mem>>)
        "tpu.trace_stop"() : () -> ()
      } else {
      }
      %and3A_170 = arith.constant true
      %and3A_171 = arith.andi %and3A_166, %and3A_170 : i1
      %add3A_172 = arith.constant 1 : i32
      %add3A_173 = arith.addi %select_n3A_98, %add3A_172 : i32
      %select_n3A_174 = arith.select %and3A_171, %add3A_173, %select_n3A_98 : i32
      %add3A_175 = arith.constant 480 : i32
      %add3A_176 = arith.addi %add3A_107, %add3A_175 : i32
      %add3A_177 = arith.constant 480 : i32
      %add3A_178 = arith.addi %add3A_117, %add3A_177 : i32
      %ne3A_179 = arith.cmpi ne, %add3A_176, %add3A_178 : i32
      %or3A_180 = arith.constant false
      %or3A_181 = arith.ori %or3A_180, %ne3A_179 : i1
      %or3A_182 = arith.constant false
      %or3A_183 = arith.ori %or3A_181, %or3A_182 : i1
      %or3A_184 = arith.ori %or3A_183, %eq3A_103 : i1
      %convert_element_type3A_185 = arith.extui %or3A_184 : i1 to i32
      %cond3A_186 = arith.constant 0 : i32
      %cond3A_187 = arith.cmpi ne, %convert_element_type3A_185, %cond3A_186 : i32
      scf.if %cond3A_187 {
        "tpu.trace_start"() <{level = 10 : i32, message = "ep_wait_in"}> : () -> ()
        %add3A_349 = arith.constant 480 : i32
        %add3A_350 = arith.addi %add3A_107, %add3A_349 : i32
        %mul3A_351 = arith.constant 8 : i32
        %mul3A_352 = arith.muli %mul3A_351, %add3A_350 : i32
        %rem3A_353 = arith.constant 2 : i32
        %rem3A_354 = arith.remui %scan3A, %rem3A_353 : i32
        %dma_wait3A = arith.constant 0 : i32
        %dma_wait3A_355 = arith.constant 0 : i32
        %dma_wait3A_356 = tpu.memref_slice %run_scoped3A[%rem3A_354, %dma_wait3A, %dma_wait3A_355] : memref<2x8x512xf32, #tpu.memory_space<vmem>> -> memref<1x8x512xf32, #tpu.memory_space<vmem>>
        %dma_wait3A_357 = tpu.memref_squeeze %dma_wait3A_356 : memref<1x8x512xf32, #tpu.memory_space<vmem>> -> memref<8x512xf32, #tpu.memory_space<vmem>>
        %dma_wait3A_358 = arith.constant 0 : i32
        %dma_wait3A_359 = tpu.memref_slice %arg2[%mul3A_352, %dma_wait3A_358] : memref<4096x512xf32, #tpu.memory_space<hbm>> -> memref<8x512xf32, #tpu.memory_space<hbm>>
        %dma_wait3A_360 = tpu.memref_slice %run_scoped3A_14[%rem3A_354] : memref<2x!tpu.dma_semaphore, #tpu.memory_space<semaphore_mem>> -> memref<1x!tpu.dma_semaphore, #tpu.memory_space<semaphore_mem>>
        %dma_wait3A_361 = tpu.memref_squeeze %dma_wait3A_360 : memref<1x!tpu.dma_semaphore, #tpu.memory_space<semaphore_mem>> -> memref<!tpu.dma_semaphore, #tpu.memory_space<semaphore_mem>>
        %dma_wait3A_362 = arith.constant 0 : i32
        %dma_wait3A_363 = arith.constant 0 : i32
        %dma_wait3A_364 = tpu.memref_slice %run_scoped3A[%rem3A_354, %dma_wait3A_362, %dma_wait3A_363] : memref<2x8x512xf32, #tpu.memory_space<vmem>> -> memref<1x8x512xf32, #tpu.memory_space<vmem>>
        %dma_wait3A_365 = tpu.memref_squeeze %dma_wait3A_364 : memref<1x8x512xf32, #tpu.memory_space<vmem>> -> memref<8x512xf32, #tpu.memory_space<vmem>>
        %dma_wait3A_366 = arith.constant 0 : i32
        %dma_wait3A_367 = tpu.memref_slice %arg2[%mul3A_352, %dma_wait3A_366] : memref<4096x512xf32, #tpu.memory_space<hbm>> -> memref<8x512xf32, #tpu.memory_space<hbm>>
        tpu.wait_dma2 semaphore(%dma_wait3A_361 : memref<!tpu.dma_semaphore, #tpu.memory_space<semaphore_mem>>) src(%dma_wait3A_367 : memref<8x512xf32, #tpu.memory_space<hbm>>) dst(%dma_wait3A_365 : memref<8x512xf32, #tpu.memory_space<vmem>>)
        "tpu.trace_stop"() : () -> ()
      } else {
      }
      %add3A_188 = arith.constant 480 : i32
      %add3A_189 = arith.addi %add3A_107, %add3A_188 : i32
      %add3A_190 = arith.constant 480 : i32
      %add3A_191 = arith.addi %add3A_117, %add3A_190 : i32
      %ne3A_192 = arith.cmpi ne, %add3A_189, %add3A_191 : i32
      %or3A_193 = arith.constant false
      %or3A_194 = arith.ori %or3A_193, %ne3A_192 : i1
      %or3A_195 = arith.constant false
      %or3A_196 = arith.ori %or3A_194, %or3A_195 : i1
      %or3A_197 = arith.ori %or3A_196, %eq3A_103 : i1
      %convert_element_type3A_198 = arith.extui %or3A_197 : i1 to i32
      %cond3A_199 = arith.constant 0 : i32
      %cond3A_200 = arith.cmpi ne, %convert_element_type3A_198, %cond3A_199 : i32
      scf.if %cond3A_200 {
        "tpu.trace_start"() <{level = 10 : i32, message = "ep_wait_in"}> : () -> ()
        %add3A_349 = arith.constant 480 : i32
        %add3A_350 = arith.addi %add3A_107, %add3A_349 : i32
        %mul3A_351 = arith.constant 8 : i32
        %mul3A_352 = arith.muli %mul3A_351, %add3A_350 : i32
        %rem3A_353 = arith.constant 2 : i32
        %rem3A_354 = arith.remui %scan3A_99, %rem3A_353 : i32
        %dma_wait3A = arith.constant 0 : i32
        %dma_wait3A_355 = arith.constant 0 : i32
        %dma_wait3A_356 = tpu.memref_slice %run_scoped3A_15[%rem3A_354, %dma_wait3A, %dma_wait3A_355] : memref<2x8x512xi32, #tpu.memory_space<vmem>> -> memref<1x8x512xi32, #tpu.memory_space<vmem>>
        %dma_wait3A_357 = tpu.memref_squeeze %dma_wait3A_356 : memref<1x8x512xi32, #tpu.memory_space<vmem>> -> memref<8x512xi32, #tpu.memory_space<vmem>>
        %dma_wait3A_358 = arith.constant 0 : i32
        %dma_wait3A_359 = tpu.memref_slice %arg3[%mul3A_352, %dma_wait3A_358] : memref<4096x512xi32, #tpu.memory_space<hbm>> -> memref<8x512xi32, #tpu.memory_space<hbm>>
        %dma_wait3A_360 = tpu.memref_slice %run_scoped3A_16[%rem3A_354] : memref<2x!tpu.dma_semaphore, #tpu.memory_space<semaphore_mem>> -> memref<1x!tpu.dma_semaphore, #tpu.memory_space<semaphore_mem>>
        %dma_wait3A_361 = tpu.memref_squeeze %dma_wait3A_360 : memref<1x!tpu.dma_semaphore, #tpu.memory_space<semaphore_mem>> -> memref<!tpu.dma_semaphore, #tpu.memory_space<semaphore_mem>>
        %dma_wait3A_362 = arith.constant 0 : i32
        %dma_wait3A_363 = arith.constant 0 : i32
        %dma_wait3A_364 = tpu.memref_slice %run_scoped3A_15[%rem3A_354, %dma_wait3A_362, %dma_wait3A_363] : memref<2x8x512xi32, #tpu.memory_space<vmem>> -> memref<1x8x512xi32, #tpu.memory_space<vmem>>
        %dma_wait3A_365 = tpu.memref_squeeze %dma_wait3A_364 : memref<1x8x512xi32, #tpu.memory_space<vmem>> -> memref<8x512xi32, #tpu.memory_space<vmem>>
        %dma_wait3A_366 = arith.constant 0 : i32
        %dma_wait3A_367 = tpu.memref_slice %arg3[%mul3A_352, %dma_wait3A_366] : memref<4096x512xi32, #tpu.memory_space<hbm>> -> memref<8x512xi32, #tpu.memory_space<hbm>>
        tpu.wait_dma2 semaphore(%dma_wait3A_361 : memref<!tpu.dma_semaphore, #tpu.memory_space<semaphore_mem>>) src(%dma_wait3A_367 : memref<8x512xi32, #tpu.memory_space<hbm>>) dst(%dma_wait3A_365 : memref<8x512xi32, #tpu.memory_space<vmem>>)
        "tpu.trace_stop"() : () -> ()
      } else {
      }
      %rem3A_201 = arith.constant 2 : i32
      %rem3A_202 = arith.remui %scan3A, %rem3A_201 : i32
      %rem3A_203 = arith.constant 2 : i32
      %rem3A_204 = arith.remui %scan3A_99, %rem3A_203 : i32
      "tpu.trace_start"() <{level = 10 : i32, message = "ep_run_kernel"}> : () -> ()
      %scan3A_205 = arith.constant 0 : i32
      %scan3A_206 = arith.constant 8 : i32
      %scan3A_207 = arith.addi %scan3A_205, %scan3A_206 : i32
      %scan3A_208 = arith.constant 1 : i32
      scf.for %scan3A_349 = %scan3A_205 to %scan3A_207 step %scan3A_208  : i32 {
        %mul3A_350 = arith.constant 1 : i32
        %mul3A_351 = arith.muli %scan3A_349, %mul3A_350 : i32
        %add3A_352 = arith.constant 0 : i32
        %add3A_353 = arith.addi %add3A_352, %mul3A_351 : i32
        %scan3A_354 = arith.constant 0 : i32
        %scan3A_355 = arith.constant 32 : i32
        %scan3A_356 = arith.addi %scan3A_354, %scan3A_355 : i32
        %scan3A_357 = arith.constant 1 : i32
        scf.for %scan3A_359 = %scan3A_354 to %scan3A_356 step %scan3A_357  : i32 {
          %mul3A_360 = arith.constant 16 : i32
          %mul3A_361 = arith.muli %scan3A_359, %mul3A_360 : i32
          %add3A_362 = arith.constant 0 : i32
          %add3A_363 = arith.addi %add3A_362, %mul3A_361 : i32
          %get3A = arith.constant 0 : i32
          %get3A_364 = arith.constant 0 : i32
          %get3A_365 = tpu.memref_slice %run_scoped3A[%rem3A_202, %get3A, %get3A_364] : memref<2x8x512xf32, #tpu.memory_space<vmem>> -> memref<1x8x512xf32, #tpu.memory_space<vmem>>
          %get3A_366 = tpu.memref_squeeze %get3A_365 : memref<1x8x512xf32, #tpu.memory_space<vmem>> -> memref<8x512xf32, #tpu.memory_space<vmem>>
          %get3A_367 = arith.index_cast %add3A_353 : i32 to index
          %get3A_368 = arith.index_cast %add3A_363 : i32 to index
          %get3A_369 = tpu.vector_load %get3A_366[%get3A_367, %get3A_368] {strides = array<i32>} : memref<8x512xf32, #tpu.memory_space<vmem>>, vector<16xf32>,
          %get3A_370 = arith.constant 0 : i32
          %get3A_371 = arith.constant 0 : i32
          %get3A_372 = tpu.memref_slice %run_scoped3A_15[%rem3A_204, %get3A_370, %get3A_371] : memref<2x8x512xi32, #tpu.memory_space<vmem>> -> memref<1x8x512xi32, #tpu.memory_space<vmem>>
          %get3A_373 = tpu.memref_squeeze %get3A_372 : memref<1x8x512xi32, #tpu.memory_space<vmem>> -> memref<8x512xi32, #tpu.memory_space<vmem>>
          %get3A_374 = arith.index_cast %add3A_353 : i32 to index
          %get3A_375 = arith.index_cast %add3A_363 : i32 to index
          %get3A_376 = tpu.vector_load %get3A_373[%get3A_374, %get3A_375] {strides = array<i32>} : memref<8x512xi32, #tpu.memory_space<vmem>>, vector<16xi32>,
          %get3A_377 = arith.constant 0 : index
          %get3A_378 = tpu.vector_load %arg5[%get3A_377] {strides = array<i32>} : memref<16xf32, #tpu.memory_space<vmem>>, vector<16xf32>,
          %neg3A = arith.constant 0.000000e+00 : f32
          %neg3A_379 = vector.broadcast %neg3A : f32 to vector<16xf32>
          %neg3A_380 = arith.subf %neg3A_379, %get3A_369 : vector<16xf32>
          %exp3A = math.exp %neg3A_380 : vector<16xf32>
          %add3A_381 = arith.constant 1.000000e+00 : f32
          %add3A_382 = vector.broadcast %add3A_381 : f32 to vector<16xf32>
          %add3A_383 = arith.addf %add3A_382, %exp3A : vector<16xf32>
          %div3A = arith.constant 1.000000e+00 : f32
          %div3A_384 = vector.broadcast %div3A : f32 to vector<16xf32>
          %div3A_385 = arith.divf %div3A_384, %add3A_383 : vector<16xf32>
          %eq3A_386 = arith.constant 1 : i32
          %eq3A_387 = vector.broadcast %eq3A_386 : i32 to vector<16xi32>
          %eq3A_388 = arith.cmpi eq, %get3A_376, %eq3A_387 : vector<16xi32>
          %sub3A_389 = arith.constant 1.000000e+00 : f32
          %sub3A_390 = vector.broadcast %sub3A_389 : f32 to vector<16xf32>
          %sub3A_391 = arith.subf %sub3A_390, %div3A_385 : vector<16xf32>
          %select_n3A_392 = arith.select %eq3A_388, %div3A_385, %sub3A_391 : vector<16xi1>, vector<16xf32>
          %jit3A = arith.constant 9.99999993E-9 : f32
          %jit3A_393 = arith.constant 1.000000e+00 : f32
          %max3A = vector.broadcast %jit3A : f32 to vector<16xf32>
          %max3A_394 = arith.maximumf %max3A, %select_n3A_392 : vector<16xf32>
          %min3A = vector.broadcast %jit3A_393 : f32 to vector<16xf32>
          %min3A_395 = arith.minimumf %min3A, %max3A_394 : vector<16xf32>
          %sub3A_396 = arith.constant 1.000000e+00 : f32
          %sub3A_397 = vector.broadcast %sub3A_396 : f32 to vector<16xf32>
          %sub3A_398 = arith.subf %sub3A_397, %min3A_395 : vector<16xf32>
          %mul3A_399 = arith.mulf %sub3A_398, %sub3A_398 : vector<16xf32>
          %bitcast3A = vector.bitcast %min3A_395 : vector<16xf32> to vector<16xi32>
          %shift_right_arithmetic3A = arith.constant 23 : i32
          %shift_right_arithmetic3A_400 = vector.broadcast %shift_right_arithmetic3A : i32 to vector<16xi32>
          %shift_right_arithmetic3A_401 = arith.shrsi %bitcast3A, %shift_right_arithmetic3A_400 : vector<16xi32>
          %sub3A_402 = arith.constant 127 : i32
          %sub3A_403 = vector.broadcast %sub3A_402 : i32 to vector<16xi32>
          %sub3A_404 = arith.subi %shift_right_arithmetic3A_401, %sub3A_403 : vector<16xi32>
          %and3A_405 = arith.constant 8388607 : i32
          %and3A_406 = vector.broadcast %and3A_405 : i32 to vector<16xi32>
          %and3A_407 = arith.andi %bitcast3A, %and3A_406 : vector<16xi32>
          %or3A_408 = arith.constant 1065353216 : i32
          %or3A_409 = vector.broadcast %or3A_408 : i32 to vector<16xi32>
          %or3A_410 = arith.ori %and3A_407, %or3A_409 : vector<16xi32>
          %bitcast3A_411 = vector.bitcast %or3A_410 : vector<16xi32> to vector<16xf32>
          %gt3A = arith.constant 1.41421354 : f32
          %gt3A_412 = vector.broadcast %gt3A : f32 to vector<16xf32>
          %gt3A_413 = arith.cmpf ogt, %bitcast3A_411, %gt3A_412 : vector<16xf32>
          %mul3A_414 = arith.constant 5.000000e-01 : f32
          %mul3A_415 = vector.broadcast %mul3A_414 : f32 to vector<16xf32>
          %mul3A_416 = arith.mulf %bitcast3A_411, %mul3A_415 : vector<16xf32>
          %select_n3A_417 = arith.select %gt3A_413, %mul3A_416, %bitcast3A_411 : vector<16xi1>, vector<16xf32>
          %add3A_418 = arith.constant 1 : i32
          %add3A_419 = vector.broadcast %add3A_418 : i32 to vector<16xi32>
          %add3A_420 = arith.addi %sub3A_404, %add3A_419 : vector<16xi32>
          %select_n3A_421 = arith.select %gt3A_413, %add3A_420, %sub3A_404 : vector<16xi1>, vector<16xi32>
          %sub3A_422 = arith.constant 1.000000e+00 : f32
          %sub3A_423 = vector.broadcast %sub3A_422 : f32 to vector<16xf32>
          %sub3A_424 = arith.subf %select_n3A_417, %sub3A_423 : vector<16xf32>
          %add3A_425 = arith.constant 1.000000e+00 : f32
          %add3A_426 = vector.broadcast %add3A_425 : f32 to vector<16xf32>
          %add3A_427 = arith.addf %select_n3A_417, %add3A_426 : vector<16xf32>
          %div3A_428 = arith.divf %sub3A_424, %add3A_427 : vector<16xf32>
          %mul3A_429 = arith.mulf %div3A_428, %div3A_428 : vector<16xf32>
          %mul3A_430 = arith.constant 2.000000e+00 : f32
          %mul3A_431 = vector.broadcast %mul3A_430 : f32 to vector<16xf32>
          %mul3A_432 = arith.mulf %mul3A_431, %div3A_428 : vector<16xf32>
          %mul3A_433 = arith.constant 0.111111112 : f32
          %mul3A_434 = vector.broadcast %mul3A_433 : f32 to vector<16xf32>
          %mul3A_435 = arith.mulf %mul3A_429, %mul3A_434 : vector<16xf32>
          %add3A_436 = arith.constant 0.142857149 : f32
          %add3A_437 = vector.broadcast %add3A_436 : f32 to vector<16xf32>
          %add3A_438 = arith.addf %add3A_437, %mul3A_435 : vector<16xf32>
          %mul3A_439 = arith.mulf %mul3A_429, %add3A_438 : vector<16xf32>
          %add3A_440 = arith.constant 2.000000e-01 : f32
          %add3A_441 = vector.broadcast %add3A_440 : f32 to vector<16xf32>
          %add3A_442 = arith.addf %add3A_441, %mul3A_439 : vector<16xf32>
          %mul3A_443 = arith.mulf %mul3A_429, %add3A_442 : vector<16xf32>
          %add3A_444 = arith.constant 0.333333343 : f32
          %add3A_445 = vector.broadcast %add3A_444 : f32 to vector<16xf32>
          %add3A_446 = arith.addf %add3A_445, %mul3A_443 : vector<16xf32>
          %mul3A_447 = arith.mulf %mul3A_429, %add3A_446 : vector<16xf32>
          %add3A_448 = arith.constant 1.000000e+00 : f32
          %add3A_449 = vector.broadcast %add3A_448 : f32 to vector<16xf32>
          %add3A_450 = arith.addf %add3A_449, %mul3A_447 : vector<16xf32>
          %mul3A_451 = arith.mulf %mul3A_432, %add3A_450 : vector<16xf32>
          %convert_element_type3A_452 = arith.sitofp %select_n3A_421 : vector<16xi32> to vector<16xf32>
          %mul3A_453 = arith.constant 0.693147182 : f32
          %mul3A_454 = vector.broadcast %mul3A_453 : f32 to vector<16xf32>
          %mul3A_455 = arith.mulf %convert_element_type3A_452, %mul3A_454 : vector<16xf32>
          %add3A_456 = arith.addf %mul3A_455, %mul3A_451 : vector<16xf32>
          %neg3A_457 = arith.constant 0.000000e+00 : f32
          %neg3A_458 = vector.broadcast %neg3A_457 : f32 to vector<16xf32>
          %neg3A_459 = arith.subf %neg3A_458, %add3A_456 : vector<16xf32>
          %mul3A_460 = arith.mulf %mul3A_399, %neg3A_459 : vector<16xf32>
          %add3A_461 = arith.addf %get3A_378, %mul3A_460 : vector<16xf32>
          %swap3A_462 = arith.constant 0 : index
          %swap3A_463 = tpu.vector_load %arg5[%swap3A_462] {strides = array<i32>} : memref<16xf32, #tpu.memory_space<vmem>>, vector<16xf32>,
          tpu.vector_store %arg5[%swap3A_462], %add3A_461 {strides = array<i32>} : memref<16xf32, #tpu.memory_space<vmem>>, vector<16xf32>,
        }
        %scan3A_358 = arith.constant 32 : i32
      }
      %scan3A_209 = arith.constant 8 : i32
      "tpu.trace_stop"() : () -> ()
      %add3A_210 = arith.constant 480 : i32
      %add3A_211 = arith.addi %add3A_107, %add3A_210 : i32
      %add3A_212 = arith.constant 480 : i32
      %add3A_213 = arith.addi %add3A_127, %add3A_212 : i32
      %ne3A_214 = arith.cmpi ne, %add3A_211, %add3A_213 : i32
      %or3A_215 = arith.constant false
      %or3A_216 = arith.ori %or3A_215, %ne3A_214 : i1
      %or3A_217 = arith.constant false
      %or3A_218 = arith.ori %or3A_216, %or3A_217 : i1
      %or3A_219 = arith.ori %or3A_218, %eq3A_105 : i1
      %convert_element_type3A_220 = arith.extui %or3A_219 : i1 to i32
      %cond3A_221 = arith.constant 0 : i32
      %cond3A_222 = arith.cmpi ne, %convert_element_type3A_220, %cond3A_221 : i32
      scf.if %cond3A_222 {
      } else {
      }
      %and3A_223 = arith.constant false
      %and3A_224 = arith.andi %or3A_219, %and3A_223 : i1
      %add3A_225 = arith.constant 480 : i32
      %add3A_226 = arith.addi %add3A_107, %add3A_225 : i32
      %add3A_227 = arith.constant 480 : i32
      %add3A_228 = arith.addi %add3A_127, %add3A_227 : i32
      %ne3A_229 = arith.cmpi ne, %add3A_226, %add3A_228 : i32
      %or3A_230 = arith.constant false
      %or3A_231 = arith.ori %or3A_230, %ne3A_229 : i1
      %or3A_232 = arith.constant false
      %or3A_233 = arith.ori %or3A_231, %or3A_232 : i1
      %or3A_234 = arith.ori %or3A_233, %eq3A_105 : i1
      %convert_element_type3A_235 = arith.extui %or3A_234 : i1 to i32
      %cond3A_236 = arith.constant 0 : i32
      %cond3A_237 = arith.cmpi ne, %convert_element_type3A_235, %cond3A_236 : i32
      scf.if %cond3A_237 {
      } else {
      }
      %and3A_238 = arith.constant false
      %and3A_239 = arith.andi %or3A_234, %and3A_238 : i1
      %add3A_240 = arith.constant 480 : i32
      %add3A_241 = arith.addi %add3A_107, %add3A_240 : i32
      %add3A_242 = arith.constant 480 : i32
      %add3A_243 = arith.addi %add3A_117, %add3A_242 : i32
      %ne3A_244 = arith.cmpi ne, %add3A_241, %add3A_243 : i32
      %or3A_245 = arith.constant false
      %or3A_246 = arith.ori %or3A_245, %ne3A_244 : i1
      %or3A_247 = arith.constant false
      %or3A_248 = arith.ori %or3A_246, %or3A_247 : i1
      %not3A_249 = arith.constant true
      %not3A_250 = arith.xori %eq3A_103, %not3A_249 : i1
      %and3A_251 = arith.andi %or3A_248, %not3A_250 : i1
      %convert_element_type3A_252 = arith.extui %and3A_251 : i1 to i32
      %cond3A_253 = arith.constant 0 : i32
      %cond3A_254 = arith.cmpi ne, %convert_element_type3A_252, %cond3A_253 : i32
      scf.if %cond3A_254 {
      } else {
      }
      %and3A_255 = arith.constant false
      %and3A_256 = arith.andi %and3A_251, %and3A_255 : i1
      %add3A_257 = arith.constant 480 : i32
      %add3A_258 = arith.addi %add3A_107, %add3A_257 : i32
      %add3A_259 = arith.constant 480 : i32
      %add3A_260 = arith.addi %add3A_117, %add3A_259 : i32
      %ne3A_261 = arith.cmpi ne, %add3A_258, %add3A_260 : i32
      %or3A_262 = arith.constant false
      %or3A_263 = arith.ori %or3A_262, %ne3A_261 : i1
      %or3A_264 = arith.constant false
      %or3A_265 = arith.ori %or3A_263, %or3A_264 : i1
      %not3A_266 = arith.constant true
      %not3A_267 = arith.xori %eq3A_103, %not3A_266 : i1
      %and3A_268 = arith.andi %or3A_265, %not3A_267 : i1
      %convert_element_type3A_269 = arith.extui %and3A_268 : i1 to i32
      %cond3A_270 = arith.constant 0 : i32
      %cond3A_271 = arith.cmpi ne, %convert_element_type3A_269, %cond3A_270 : i32
      scf.if %cond3A_271 {
      } else {
      }
      %and3A_272 = arith.constant false
      %and3A_273 = arith.andi %and3A_268, %and3A_272 : i1
      %add3A_274 = arith.constant 480 : i32
      %add3A_275 = arith.addi %add3A_107, %add3A_274 : i32
      %add3A_276 = arith.constant 480 : i32
      %add3A_277 = arith.addi %add3A_127, %add3A_276 : i32
      %ne3A_278 = arith.cmpi ne, %add3A_275, %add3A_277 : i32
      %or3A_279 = arith.constant false
      %or3A_280 = arith.ori %or3A_279, %ne3A_278 : i1
      %or3A_281 = arith.constant false
      %or3A_282 = arith.ori %or3A_280, %or3A_281 : i1
      %or3A_283 = arith.ori %or3A_282, %eq3A_105 : i1
      %add3A_284 = arith.constant 1 : i32
      %add3A_285 = arith.addi %scan3A, %add3A_284 : i32
      %select_n3A_286 = arith.select %or3A_283, %add3A_285, %scan3A : i32
      %add3A_287 = arith.constant 480 : i32
      %add3A_288 = arith.addi %add3A_107, %add3A_287 : i32
      %add3A_289 = arith.constant 480 : i32
      %add3A_290 = arith.addi %add3A_127, %add3A_289 : i32
      %ne3A_291 = arith.cmpi ne, %add3A_288, %add3A_290 : i32
      %or3A_292 = arith.constant false
      %or3A_293 = arith.ori %or3A_292, %ne3A_291 : i1
      %or3A_294 = arith.constant false
      %or3A_295 = arith.ori %or3A_293, %or3A_294 : i1
      %or3A_296 = arith.ori %or3A_295, %eq3A_105 : i1
      %add3A_297 = arith.constant 1 : i32
      %add3A_298 = arith.addi %scan3A_99, %add3A_297 : i32
      %select_n3A_299 = arith.select %or3A_296, %add3A_298, %scan3A_99 : i32
      %select_n3A_300 = arith.constant true
      %select_n3A_301 = arith.constant 0 : i32
      %select_n3A_302 = arith.constant 1 : i32
      %select_n3A_303 = arith.select %select_n3A_300, %select_n3A_302, %select_n3A_301 : i32
      %eq3A_304 = arith.constant 1 : i32
      %eq3A_305 = arith.cmpi eq, %select_n3A_303, %eq3A_304 : i32
      %select_n3A_306 = arith.constant 0 : i32
      %select_n3A_307 = arith.select %eq3A_305, %select_n3A_306, %select_n3A_303 : i32
      %scan3A_308 = arith.constant 0 : i32
      %scan3A_309 = arith.constant 1 : i32
      %sub3A = arith.constant 1 : i32
      %sub3A_310 = arith.subi %scan3A_308, %sub3A : i32
      %select_n3A_311 = arith.constant true
      %select_n3A_312 = arith.select %select_n3A_311, %sub3A_310, %scan3A_308 : i32
      %eq3A_313 = arith.constant -1 : i32
      %eq3A_314 = arith.cmpi eq, %select_n3A_312, %eq3A_313 : i32
      %select_n3A_315 = arith.constant 0 : i32
      %select_n3A_316 = arith.select %eq3A_314, %select_n3A_315, %select_n3A_312 : i32
      %add3A_317 = arith.constant 0 : i32
      %add3A_318 = arith.addi %add3A_317, %mul3A_8 : i32
      %select_n3A_319 = arith.constant true
      %select_n3A_320 = arith.constant 0 : i32
      %select_n3A_321 = arith.constant -1 : i32
      %select_n3A_322 = arith.select %select_n3A_319, %select_n3A_321, %select_n3A_320 : i32
      %eq3A_323 = arith.constant -1 : i32
      %eq3A_324 = arith.cmpi eq, %select_n3A_322, %eq3A_323 : i32
      %select_n3A_325 = arith.constant 0 : i32
      %select_n3A_326 = arith.select %eq3A_324, %select_n3A_325, %select_n3A_322 : i32
      %add3A_327 = arith.constant 0 : i32
      %add3A_328 = arith.addi %add3A_327, %mul3A_8 : i32
      %select_n3A_329 = arith.constant true
      %select_n3A_330 = arith.constant 0 : i32
      %select_n3A_331 = arith.constant 1 : i32
      %select_n3A_332 = arith.select %select_n3A_329, %select_n3A_331, %select_n3A_330 : i32
      %eq3A_333 = arith.constant 1 : i32
      %eq3A_334 = arith.cmpi eq, %select_n3A_332, %eq3A_333 : i32
      %select_n3A_335 = arith.constant 0 : i32
      %select_n3A_336 = arith.select %eq3A_334, %select_n3A_335, %select_n3A_332 : i32
      %add3A_337 = arith.constant 0 : i32
      %add3A_338 = arith.addi %add3A_337, %mul3A_8 : i32
      %select_n3A_339 = arith.constant true
      %select_n3A_340 = arith.constant 0 : i32
      %select_n3A_341 = arith.constant 1 : i32
      %select_n3A_342 = arith.select %select_n3A_339, %select_n3A_341, %select_n3A_340 : i32
      %eq3A_343 = arith.constant 1 : i32
      %eq3A_344 = arith.cmpi eq, %select_n3A_342, %eq3A_343 : i32
      %select_n3A_345 = arith.constant 0 : i32
      %select_n3A_346 = arith.select %eq3A_344, %select_n3A_345, %select_n3A_342 : i32
      %add3A_347 = arith.constant 0 : i32
      %add3A_348 = arith.addi %add3A_347, %mul3A_8 : i32
      tpu.yield
    }) : () -> ()
    %mul3A_9 = arith.constant 2 : i32
    %mul3A_10 = arith.muli %arg1, %mul3A_9 : i32
    %add3A_11 = arith.addi %mul3A_10, %arg0 : i32
    %mul3A_12 = arith.constant 16 : i32
    %mul3A_13 = arith.muli %add3A_11, %mul3A_12 : i32
    "tpu.region"() ({
      %run_scoped3A = tpu.sem_alloc : memref<!tpu.dma_semaphore, #tpu.memory_space<semaphore_mem>>
      %dma_start3A = tpu.memref_slice %arg4[%mul3A_13] : memref<512xf32, #tpu.memory_space<hbm>> -> memref<16xf32, #tpu.memory_space<hbm>>
      %dma_start3A_14 = tpu.memref_slice %arg4[%mul3A_13] : memref<512xf32, #tpu.memory_space<hbm>> -> memref<16xf32, #tpu.memory_space<hbm>>
      tpu.enqueue_dma source(%arg5 : memref<16xf32, #tpu.memory_space<vmem>>) target(%dma_start3A_14 : memref<16xf32, #tpu.memory_space<hbm>>) target_semaphore(%run_scoped3A : memref<!tpu.dma_semaphore, #tpu.memory_space<semaphore_mem>>)
      %dma_wait3A = tpu.memref_slice %arg4[%mul3A_13] : memref<512xf32, #tpu.memory_space<hbm>> -> memref<16xf32, #tpu.memory_space<hbm>>
      %dma_wait3A_15 = tpu.memref_slice %arg4[%mul3A_13] : memref<512xf32, #tpu.memory_space<hbm>> -> memref<16xf32, #tpu.memory_space<hbm>>
      tpu.wait_dma2 semaphore(%run_scoped3A : memref<!tpu.dma_semaphore, #tpu.memory_space<semaphore_mem>>) src(%arg5 : memref<16xf32, #tpu.memory_space<vmem>>) dst(%dma_wait3A_15 : memref<16xf32, #tpu.memory_space<hbm>>)
      tpu.yield
    }) : () -> ()
    return
  }
}

module attributes {stable_mosaic.version = 14 : i64} {
  func.func @_tc_body(%arg0: i32, %arg1: memref<1920x512xf32, #tpu.memory_space<vmem>>, %arg2: memref<1920x512xi32, #tpu.memory_space<vmem>>, %arg3: memref<1x1xf32, #tpu.memory_space<smem>>) attributes {dimension_semantics = [#tpu.dimension_semantics<arbitrary>], iteration_bounds = array<i64: 2>, scalar_prefetch = 0 : i64, scratch_operands = 0 : i64, tpu.core_type = #tpu.core_type<tc>, window_params = [{transform_indices = @transform_0, window_bounds = array<i64: 1920, 512>}, {transform_indices = @transform_1, window_bounds = array<i64: 1920, 512>}, {transform_indices = @transform_2, window_bounds = array<i64: 1, 1>}]} {
    %get3A = arith.constant 0 : index
    %get3A_0 = arith.constant 0 : index
    %get3A_1 = vector.load %arg1[%get3A, %get3A_0] : memref<1920x512xf32, #tpu.memory_space<vmem>>, vector<1920x512xf32>
    %get3A_2 = arith.constant 0 : index
    %get3A_3 = arith.constant 0 : index
    %get3A_4 = vector.load %arg2[%get3A_2, %get3A_3] : memref<1920x512xi32, #tpu.memory_space<vmem>>, vector<1920x512xi32>
    %logistic3A = arith.negf %get3A_1 : vector<1920x512xf32>
    %logistic3A_5 = math.exp %logistic3A : vector<1920x512xf32>
    %logistic3A_6 = arith.constant 1.000000e+00 : f32
    %logistic3A_7 = vector.broadcast %logistic3A_6 : f32 to vector<1920x512xf32>
    %logistic3A_8 = arith.addf %logistic3A_7, %logistic3A_5 : vector<1920x512xf32>
    %logistic3A_9 = arith.divf %logistic3A_7, %logistic3A_8 : vector<1920x512xf32>
    %eq3A = arith.constant 1 : i32
    %eq3A_10 = vector.broadcast %eq3A : i32 to vector<1920x512xi32>
    %eq3A_11 = arith.cmpi eq, %get3A_4, %eq3A_10 : vector<1920x512xi32>
    %sub3A = arith.constant 1.000000e+00 : f32
    %sub3A_12 = vector.broadcast %sub3A : f32 to vector<1920x512xf32>
    %sub3A_13 = arith.subf %sub3A_12, %logistic3A_9 : vector<1920x512xf32>
    %select_n3A = arith.select %eq3A_11, %logistic3A_9, %sub3A_13 : vector<1920x512xi1>, vector<1920x512xf32>
    %jit3A = arith.constant 9.99999993E-9 : f32
    %jit3A_14 = arith.constant 1.000000e+00 : f32
    %max3A = vector.broadcast %jit3A : f32 to vector<1920x512xf32>
    %max3A_15 = arith.maximumf %max3A, %select_n3A : vector<1920x512xf32>
    %min3A = vector.broadcast %jit3A_14 : f32 to vector<1920x512xf32>
    %min3A_16 = arith.minimumf %min3A, %max3A_15 : vector<1920x512xf32>
    %sub3A_17 = arith.constant 1.000000e+00 : f32
    %sub3A_18 = vector.broadcast %sub3A_17 : f32 to vector<1920x512xf32>
    %sub3A_19 = arith.subf %sub3A_18, %min3A_16 : vector<1920x512xf32>
    %mul3A = arith.mulf %sub3A_19, %sub3A_19 : vector<1920x512xf32>
    %log3A = math.log %min3A_16 : vector<1920x512xf32>
    %neg3A = arith.constant 0.000000e+00 : f32
    %neg3A_20 = vector.broadcast %neg3A : f32 to vector<1920x512xf32>
    %neg3A_21 = arith.subf %neg3A_20, %log3A : vector<1920x512xf32>
    %mul3A_22 = arith.mulf %mul3A, %neg3A_21 : vector<1920x512xf32>
    %reduce_sum3A = vector.shape_cast %mul3A_22 : vector<1920x512xf32> to vector<1x1920x512xf32>
    %reduce_sum3A_23 = arith.constant dense<0.000000e+00> : vector<1xf32>
    %reduce_sum3A_24 = vector.multi_reduction <add>, %reduce_sum3A, %reduce_sum3A_23 [1, 2] : vector<1x1920x512xf32> to vector<1xf32>
    %reduce_sum3A_25 = vector.shape_cast %reduce_sum3A_24 : vector<1xf32> to vector<1x1x1xf32>
    %reduce_sum3A_26 = vector.extract %reduce_sum3A_25[0, 0, 0] : f32 from vector<1x1x1xf32>
    %eq3A_27 = arith.constant 0 : i32
    %eq3A_28 = arith.cmpi eq, %arg0, %eq3A_27 : i32
    %convert_element_type3A = arith.extui %eq3A_28 : i1 to i32
    %cond3A = arith.constant 0 : i32
    %cond3A_29 = arith.cmpi ne, %convert_element_type3A, %cond3A : i32
    scf.if %cond3A_29 {
      %swap3A = arith.constant 0 : index
      %swap3A_34 = arith.constant 0 : index
      %swap3A_35 = memref.load %arg3[%swap3A, %swap3A_34] : memref<1x1xf32, #tpu.memory_space<smem>>
      memref.store %reduce_sum3A_26, %arg3[%swap3A, %swap3A_34] : memref<1x1xf32, #tpu.memory_space<smem>>
    } else {
    }
    %gt3A = arith.constant 0 : i32
    %gt3A_30 = arith.cmpi sgt, %arg0, %gt3A : i32
    %convert_element_type3A_31 = arith.extui %gt3A_30 : i1 to i32
    %cond3A_32 = arith.constant 0 : i32
    %cond3A_33 = arith.cmpi ne, %convert_element_type3A_31, %cond3A_32 : i32
    scf.if %cond3A_33 {
      %get3A_34 = arith.constant 0 : index
      %get3A_35 = arith.constant 0 : index
      %get3A_36 = memref.load %arg3[%get3A_34, %get3A_35] : memref<1x1xf32, #tpu.memory_space<smem>>
      %add3A = arith.addf %get3A_36, %reduce_sum3A_26 : f32
      %swap3A = arith.constant 0 : index
      %swap3A_37 = arith.constant 0 : index
      %swap3A_38 = memref.load %arg3[%swap3A, %swap3A_37] : memref<1x1xf32, #tpu.memory_space<smem>>
      memref.store %add3A, %arg3[%swap3A, %swap3A_37] : memref<1x1xf32, #tpu.memory_space<smem>>
    } else {
    }
    return
  }
  func.func @transform_0(%arg0: i32) -> (i32, i32) {
    %c0_i32 = arith.constant 0 : i32
    %c0_i32_0 = arith.constant 0 : i32
    return %arg0, %c0_i32 : i32, i32
  }
  func.func @transform_1(%arg0: i32) -> (i32, i32) {
    %c0_i32 = arith.constant 0 : i32
    %c0_i32_0 = arith.constant 0 : i32
    return %arg0, %c0_i32 : i32, i32
  }
  func.func @transform_2(%arg0: i32) -> (i32, i32) {
    %c0_i32 = arith.constant 0 : i32
    %c0_i32_0 = arith.constant 0 : i32
    %c0_i32_1 = arith.constant 0 : i32
    return %c0_i32, %c0_i32_0 : i32, i32
  }
}

</mosaic_0001>

<sc_bundles>
// kernel: kernel.4.cloned.1.call-start
scs
__scs_entry_jumppad:
0x0: {  	(pc) =	sbr.rel $0x88, $3  }
0x1: {  	(tag) =	ssettag $0x0;
	lr =	simm.s32 $0x1  }
0x2: {  	[smem:$0x3F9F] =	sst lr;
	_ =	strace $0xD0000000  }
0x3: {  	_ = 	snop  }
0x4: {  	_ = 	snop  }
0x5: {  	_ = 	snop  }
0x6: {  	_ = 	snop  }
0x7: {  	_ = 	snop  }
__scs_overlays_trampoline_lowered:
0x8: {  	[smem:$0x3FAE] =	sst s0  }
0x9: {  	[smem:$0x3FAF] =	sst s1  }
0xa: {  	[smem:$0x3FB0] =	sst s2  }
0xb: {  	[smem:$0x3FB1] =	sst s3  }
0xc: {  	[smem:$0x3FB2] =	sst s4  }
0xd: {  	[smem:$0x3FB3] =	sst s5  }
0xe: {  	[smem:$0x3FB4] =	sst s6  }
0xf: {  	[smem:$0x3FB5] =	sst s7  }
0x10: {  	[smem:$0x3FB6] =	sst s8  }
0x11: {  	[smem:$0x3FB7] =	sst s9;
	s0 =	simm.s32 @!p0 $0x0  }
0x12: {  	s1 =	sld [smem:$0x3F9D];
	s0 =	simm.s32 @p0 $0x1  }
0x13: {  	[smem:$0x3FB8] =	sst s0;
	s0 =	simm.s32 @!p1 $0x0  }
0x14: {  	s2 =	sld [smem:$0x3F9C];
	s0 =	simm.s32 @p1 $0x1  }
0x15: {  	[smem:$0x3FB9] =	sst s0;
	s0 =	simm.s32 @!p2 $0x0  }
0x16: {  	s3 =	sld [smem:$0x3FDB];
	s0 =	simm.s32 @p2 $0x1  }
0x17: {  	s4 =	simm.s32 $0x1BF5;
	[smem:$0x3FBB] =	sst s0  }
0x18: {  	s0 =	sld [smem:$0x3F9E];
	_ =	swait.ge [sflag:s4], $0x0  }
0x19: {  	s7 =	sld [smem:$0x3F9F]  }
0x1a: {  	s8 =	sadd.s32 $0xFFFFE003, lr  }
0x1b: {  	s9 =	sadd.s32 $0xFFFFFEF7, lr;
	s5 =	simm.s32 $0xFFFFFFFF;
	p2 =	slt.u32 s8, $0xFFFFF086  }
0x1c: {  	p1 =	slt.u32 s9, $0xF7A;
	s5 =	simm.s32 @!p2 $0x0  }
0x1d: {  	s5 =	simm.s32 @p1 $0x1;
	p0 =	seq.s32 s7, s2  }
0x1e: {  	s7 =	smul.u32 @!p0 $0xF7A, s2;
	p2 =	seq.s32 @!p0 s5, $0x0  }
0x1f: {  	s9 =	smul.u32 $0xF7A, s1;
	s8 =	simm.s32 @!p0 $0x1BF5;
	p2 =	por !p2, p0  }
0x20: {  	[sflag:s8] =	ssyncset.s32 @!p0 $0xFFFFF086;
	s6 =	sadd.s32 @!p0 s3, s7;
	s7 =	simm.s32 @!p0 $0x108  }
0x21: {  	s3 =	sadd.s32 s3, s9;
	s6 =	sadd.s32 @!p0 $0x88, s6;
	s7 =	simm.s32 @p2 $0x1082  }
0x22: {  	[simem:s7], [sflag:s8] =	dma.local @!p0 [hbm:s6], $0xF7A  }
0x23: {  	s9 =	sor.u32 $0xD0000000, s2;
	s6 =	simm.s32 $0x108;
	_ =	swait.ge @!p0 [sflag:s8], $0x0  }
0x24: {  	s3 =	sadd.s32 $0x88, s3;
	s6 =	simm.s32 @!p1 $0x1082;
	[sflag:s4] =	ssyncset.s32 $0xFFFFF086  }
0x25: {  	[simem:s6], [sflag:s4] =	dma.local [hbm:s3], $0xF7A  }
0x26: {  	[smem:$0x3F9F] =	sst s1;
	(tag) =	ssettag s2;
	_ =	strace s9  }
0x27: {  	s1 =	sld [smem:$0x3FAF]  }
0x28: {  	s2 =	sld [smem:$0x3FB0]  }
0x29: {  	s4 =	sld [smem:$0x3FB2]  }
0x2a: {  	p0 =	seq.s32 s5, $0x0;
	s5 =	sld [smem:$0x3FB3]  }
0x2b: {  	s6 =	sld [smem:$0x3FB4]  }
0x2c: {  	s7 =	sld [smem:$0x3FB5]  }
0x2d: {  	s3 =	simm.s32 $0x108;
	s8 =	sld [smem:$0x3FB6]  }
0x2e: {  	s3 =	simm.s32 @!p0 $0x1082;
	s9 =	sld [smem:$0x3FB7]  }
0x2f: {  	lr =	sadd.s32 s0, s3;
	s0 =	sld [smem:$0x3FAE]  }
0x30: {  	s3 =	sld [smem:$0x3FB1]  }
0x31: {  	[smem:$0x3FBA] =	sst s10  }
0x32: {  	s10 =	sld [smem:$0x3FB8];
	_ =	sdelay $0x3  }
0x33: {  	p0 =	seq.s32 s10, $0x1;
	s10 =	sld [smem:$0x3FBA];
	_ =	sdelay $0x3  }
0x34: {  	[smem:$0x3FBA] =	sst s10  }
0x35: {  	s10 =	sld [smem:$0x3FB9];
	_ =	sdelay $0x3  }
0x36: {  	p1 =	seq.s32 s10, $0x1;
	s10 =	sld [smem:$0x3FBA];
	_ =	sdelay $0x3  }
0x37: {  	[smem:$0x3FBA] =	sst s10  }
0x38: {  	s10 =	sld [smem:$0x3FBB]  }
0x39: {  	_ = 	snop;
	(pc) =	sbr.ind lr, $3  }
0x3a: {  	_ = 	snop  }
0x3b: {  	_ = 	snop  }
0x3c: {  	p2 =	seq.s32 s10, $0x1;
	s10 =	sld [smem:$0x3FBA]  }
0x3d: {  	_ =	shalt  }
0x3e: {  	_ =	shalt  }
0x3f: {  	_ =	shalt  }
0x40: {  	_ =	shalt  }
0x41: {  	_ =	shalt  }
0x42: {  	_ =	shalt  }
0x43: {  	_ =	shalt  }
0x44: {  	_ =	shalt  }
0x45: {  	_ =	shalt  }
0x46: {  	_ =	shalt  }
0x47: {  	_ =	shalt  }
0x48: {  	_ =	shalt  }
0x49: {  	_ =	shalt  }
0x4a: {  	_ =	shalt  }
0x4b: {  	_ =	shalt  }
0x4c: {  	_ =	shalt  }
0x4d: {  	_ =	shalt  }
0x4e: {  	_ =	shalt  }
0x4f: {  	_ =	shalt  }
0x50: {  	_ =	shalt  }
0x51: {  	_ =	shalt  }
0x52: {  	_ =	shalt  }
0x53: {  	_ =	shalt  }
0x54: {  	_ =	shalt  }
0x55: {  	_ =	shalt  }
0x56: {  	_ =	shalt  }
0x57: {  	_ =	shalt  }
0x58: {  	_ =	shalt  }
0x59: {  	_ =	shalt  }
0x5a: {  	_ =	shalt  }
0x5b: {  	_ =	shalt  }
0x5c: {  	_ =	shalt  }
0x5d: {  	_ =	shalt  }
0x5e: {  	_ =	shalt  }
0x5f: {  	_ =	shalt  }
0x60: {  	_ =	shalt  }
0x61: {  	_ =	shalt  }
0x62: {  	_ =	shalt  }
0x63: {  	_ =	shalt  }
0x64: {  	_ =	shalt  }
0x65: {  	_ =	shalt  }
0x66: {  	_ =	shalt  }
0x67: {  	_ =	shalt  }
0x68: {  	_ =	shalt  }
0x69: {  	_ =	shalt  }
0x6a: {  	_ =	shalt  }
0x6b: {  	_ =	shalt  }
0x6c: {  	_ =	shalt  }
0x6d: {  	_ =	shalt  }
0x6e: {  	_ =	shalt  }
0x6f: {  	_ =	shalt  }
0x70: {  	_ =	shalt  }
0x71: {  	_ =	shalt  }
0x72: {  	_ =	shalt  }
0x73: {  	_ =	shalt  }
0x74: {  	_ =	shalt  }
0x75: {  	_ =	shalt  }
0x76: {  	_ =	shalt  }
0x77: {  	_ =	shalt  }
0x78: {  	_ =	shalt  }
0x79: {  	_ =	shalt  }
0x7a: {  	_ =	shalt  }
0x7b: {  	_ =	shalt  }
0x7c: {  	_ =	shalt  }
0x7d: {  	_ =	shalt  }
0x7e: {  	_ =	shalt  }
0x7f: {  	_ =	shalt  }
0x80: {  	_ =	shalt  }
0x81: {  	_ =	shalt  }
0x82: {  	_ =	shalt  }
0x83: {  	_ =	shalt  }
0x84: {  	_ =	shalt  }
0x85: {  	_ =	shalt  }
0x86: {  	_ =	shalt  }
0x87: {  	_ =	shalt  }
.Lfunc_end0:
.L_simem_size_0:
called_computation_lowered:
.L_overlay_start_0:
0x88: {  	s2 =	sld [smem:$0x3FD9]  }
0x89: {  	s3 =	sld [smem:$0x3FFE];
	_ =	sdelay $0x1  }
0x8a: {  	s1 =	srdreg.scid  }
0x8b: {  	s0 =	sand.u32 $0x1, s1  }
0x8c: {  	s17 =	sshll.u32 s0, $0xA;
	s2 =	sadd.s32 s3, s2  }
0x8d: {  	s2 =	sadd.s32 s2, s17  }
0x8e: {  	[smem:$0x3FC6] =	sst s2  }
0x8f: {  	_ = 	snop  }
0x90: {  	s2 =	sld [smem:$0x3FC9]  }
0x91: {  	s18 =	sld [smem:$0x3FC8];
	(tm) =	ssettm $0x1  }
0x92: {  	s4 =	sld [smem:$0x3FFB];
	_ =	sdelay $0x3  }
0x93: {  	_ =	strace s4  }
0x94: {  	s4 =	sld [smem:$0x3FFC];
	_ =	sdelay $0x3  }
0x95: {  	_ =	strace s4  }
0x96: {  	s4 =	sld [smem:$0x3FFD];
	_ =	sdelay $0x3  }
0x97: {  	_ =	strace s4  }
0x98: {  	_ =	strace $0x8FFFFFFF  }
0x99: {  	s19 =	sld [smem:$0x3FDB];
	_ =	sdelay $0x1  }
0x9a: {  	s5 =	simm.s32 $_scs_section_size  }
0x9b: {  	s6 =	simm.s32 $_size__tile_overlayer_lowered;
	s7 =	simm.s32 $_tile_overlayer_lowered  }
0x9c: {  	s22 =	simm.s32 $0x1BFF;
	s21 =	sshll.u32 s7, $0x1;
	s4 =	sadd.s32 s5, s19  }
0x9d: {  	s8 =	simm.s32 $0x0;
	s20 =	sshll.u32 s6, $0x1;
	s6 =	sadd.s32 s21, s4  }
0x9e: {  	[timem:s8], [sflag:s22] =	dma.local [hbm:s6], s20  }
0x9f: {  	_ =	swait.ge [sflag:s22], s20  }
0xa0: {  	s5 =	ssub.s32 $0x0, s20;
	[sflag:s22] =	ssyncset.done $0x0  }
0xa1: {  	[sflag:s22] =	ssyncadd.s32 s5;
	_ =	sdelay $0x1  }
0xa2: {  	s23 =	simm.s32 $0x1B8B  }
0xa3: {  	_ =	swait.ge [sflag:s23], $0x1  }
0xa4: {  	[sflag:s23] =	ssyncset.done $0x0  }
0xa5: {  	s25 =	simm.s32 $0x1B8E;
	s24 =	sld [smem:$0x3FFE];
	[sflag:s23] =	ssyncadd.s32 $0xFFFFFFFF  }
0xa6: {  	s26 =	simm.s32 $execute0_lowered;
	[smem:$0x3FD2] =	sst s25  }
0xa7: {  	s6 =	sshll.u32 s26, $0x1;
	_ =	strace $0x80000046;
	[dreg:$0x1] =	wrdreg $0xFFFFFFFF  }
0xa8: {  	s28 =	simm.s32 $_size_execute0_lowered;
	s4 =	sadd.s32 s4, s6;
	[dreg:$0x0] =	wrdreg $0x0  }
0xa9: {  	s6 =	sshll.u32 s28, $0x1;
	[dreg:$0x2] =	wrdreg s4  }
0xaa: {  	[dreg:$0x3] =	wrdreg s6  }
0xab: {  	[dreg:$0x4] =	wrdreg $0xC0  }
0xac: {  	_ =	task [dreg:s8], $0x5FFFF  }
0xad: {  	[dreg:$0x1] =	wrdreg $0xFFFFFFFF  }
0xae: {  	[dreg:$0x0] =	wrdreg $0x60  }
0xaf: {  	[dreg:$0x2] =	wrdreg s2  }
0xb0: {  	[dreg:$0x3] =	wrdreg s18  }
0xb1: {  	[dreg:$0x4] =	wrdreg s24  }
0xb2: {  	[dreg:$0x5] =	wrdreg $0x9  }
0xb3: {  	_ =	task.clear_ibuf [dreg:s8], $0x6FFFF;
	_ =	strace $0x90000046  }
0xb4: {  	s29 =	simm.s32 $0x9;
	_ =	strace $0x8000004C  }
0xb5: {  	_ =	swait.ge [sflag:s29], $0x1  }
0xb6: {  	[sflag:s29] =	ssyncadd.s32 $0xFFFFFFFF  }
0xb7: {  	_ =	strace $0x9000004C  }
0xb8: {  	_ =	sfence  }
0xb9: {  	s30 =	sld [smem:$0x0];
	_ =	sdelay $0x2  }
0xba: {  	s31 =	sshll.u32 s1, $0xD;
	s1 =	sshrl.u32 s1, $0x2  }
0xbb: {  	s3 =	sand.u32 $0x4000, s31;
	s1 =	sadd.s32 s1, s30  }
0xbc: {  	s0 =	sor.u32 s3, s0;
	s1 =	sshll.u32 s1, $0x11  }
0xbd: {  	s0 =	sor.u32 s1, s0  }
0xbe: {  	s0 =	sadd.s32 $0x8F2B, s0  }
0xbf: {  	[sflag:s0] =	ssyncadd.remote.s32 $0x1  }
0xc0: {  	_ =	sfence.sel $0xFFFF  }
0xc1: {  	[dreg:$0x0] =	wrdreg $0xFFFFFFFF;
	(pc) =	sbr.abs _section_cstart, $3  }
0xc2: {  	[dreg:$0x1] =	wrdreg $0xFFFFFFFF  }
0xc3: {  	_ =	task.clear_ibuf [dreg:s8], $0x2FFFF;
	_ =	strace $0x9FFFFFFF  }
0xc4: {  	(tm) =	ssettm $0x7FFFFFFF  }
0xc5: {  	_ =	shalt  }
tec
execute0_lowered:
.L_overlay_start_1:
0x0: {  	(tag) =	ssettag $0x1  }
0x1: {  	s3 =	rddreg [dreg:$0x0]  }
0x2: {  	s4 =	rddreg [dreg:$0x1]  }
0x3: {  	s2 =	rddreg [dreg:$0x2]  }
0x4: {  	s5 =	srdreg.scid;
	s0 =	rddreg [dreg:$0x3];
	s1 =	simm.s32 $0x0  }
0x5: {  	s10 =	simm.s32 $0x3;
	s5 =	sand.u32 $0x1, s5;
	[smem:$0x7FF] =	sst s1  }
0x6: {  	s11 =	simm.s32 $0x0;
	s6 =	sshll.u32 s5, $0x1;
	_ =	strace $0x80000047  }
0x7: {  	s7 =	ssub.s32 $0x2, s5;
	s6 =	sadd.s32 s6, s2;
	s2 =	stileid.u32  }
0x8: {  	s5 =	sshll.u32 s5, $0xD;
	s9 =	sshrl.u32 s7, $0x1;
	s8 =	sshll.u32 s2, $0x9  }
0x9: {  	s31 =	sshll.u32 s2, $0x2;
	s7 =	ssub.s32 s7, s9;
	s5 =	sor.u32 s8, s5  }
0xa: {  	s9 =	simm.s32 $0x1;
	s6 =	sadd.s32 s31, s6;
	s5 =	sor.u32 $0x3C000, s5  }
0xb: {  	s8 =	simm.s32 $0x2080;
	s3 =	sadd.s32 s3, s5;
	s4 =	sadd.s32 s4, s5  }
0xc: {  	v0 =	vimm.f32 $0.0e+00;
	v1 =	vimm.s32 $0xFFFFFF81;
	s5 =	sadd.s32 $0x400, s6;
	s6 =	smax.u32 s7, $0x1;
	s7 =	simm.s32 $0x80  }
.LBB2_1:
0xd: {  	[tilespmem:$0x0] =	vst v0  }
0xe: {  	_ =	strace $0x80000048  }
0xf: {  	[tilespmem:s7], [sflag:$0x1] =	stream.linear.gather [hbm4b:s3+s1], $0x1000, $0x200038;
	[tilespmem:$0x4080] =	vst v63  }
0x10: {  	_ = 	snop  }
0x11: {  	[tilespmem:s8], [sflag:$0x3] =	stream.linear.gather [hbm4b:s4+s1], $0x1000, $0x200038;
	[tilespmem:$0x4080] =	vst v63  }
0x12: {  	_ =	strace $0x90000048  }
0x13: {  	_ =	strace $0x80000049  }
0x14: {  	_ =	swait.ge [sflag:s9], $0x1000  }
0x15: {  	[sflag:s9] =	ssyncset.done $0x0  }
0x16: {  	[sflag:s9] =	ssyncadd.s32 $0xFFFFF000  }
0x17: {  	_ =	strace $0x90000049  }
0x18: {  	_ =	strace $0x8000004A  }
0x19: {  	_ =	swait.ge [sflag:s10], $0x1000  }
0x1a: {  	[sflag:s10] =	ssyncset.done $0x0  }
0x1b: {  	[sflag:s10] =	ssyncadd.s32 $0xFFFFF000  }
0x1c: {  	_ =	strace $0x9000004A  }
0x1d: {  	_ =	strace $0x8000004B  }
0x1e: {  	v2 =	vld [tilespmem:$0x0];
	_ =	sdelay $0x3  }
0x1f: {  	s12 =	simm.s32 $0x0  }
.LBB2_2:
0x20: {  	s13 =	simm.s32 $0x0  }
0x21: {  	s14 =	sand.u32 $0x18, s13  }
0x22: {  	s14 =	sadd.s32 s12, s14  }
0x23: {  	s15 =	sand.u32 $0x70, s13;
	s14 =	sshll.u32 s14, $0x7  }
0x24: {  	s14 =	sor.u32 s15, s14  }
0x25: {  	v3 =	vld [tilespmem:s14+$0x80];
	_ =	sdelay $0x4  }
0x26: {  	v3 =	vsub.f32 $0.0e+00, v3;
	_ =	sdelay $0x1  }
0x27: {  	v3 =	vmul.f32 $1.442695020e+00, v3;
	_ =	sdelay $0x1  }
0x28: {  	(erf) = vpow2.f32 v3;
	_ =	sdelay $0x8  }
0x29: {  	v3 =	vpop (erf)  }
0x2a: {  	v3 =	vadd.f32 $1.000000000e+00, v3;
	_ =	sdelay $0x1  }
0x2b: {  	(erf) = vrcp.f32 v3;
	_ =	sdelay $0x5  }
0x2c: {  	v3 =	vld [tilespmem:s14+$0x2080];
	_ =	sdelay $0x2  }
0x2d: {  	v4 =	vpop (erf)  }
0x2e: {  	v5 =	vsub.f32 $1.000000000e+00, v4  }
0x2f: {  	vm0 =	veq.s32 v3, $0x1  }
0x30: {  	v3 =	vsel vm0, v4, v5  }
0x31: {  	v3 =	vmax.f32 v3, $9.999999930e-09  }
0x32: {  	v3 =	vmin.f32 v3, $1.000000000e+00  }
0x33: {  	v4 =	vand.u32 $0x7FFFFF, v3  }
0x34: {  	v4 =	vor.u32 $0x3F800000, v4  }
0x35: {  	v5 =	vmul.f32 $5.000000000e-01, v4  }
0x36: {  	vm15 =	vgt.f32 v4, $1.414213540e+00  }
0x37: {  	v4 =	vsel vm15, v5, v4  }
0x38: {  	v5 =	vadd.f32 $1.000000000e+00, v4;
	_ =	sdelay $0x1  }
0x39: {  	(erf) = vrcp.f32 v5;
	_ =	sdelay $0x7  }
0x3a: {  	v4 =	vadd.f32 $-1.000000000e+00, v4  }
0x3b: {  	v5 =	vpop (erf)  }
0x3c: {  	v4 =	vmul.f32 v5, v4;
	_ =	sdelay $0x1  }
0x3d: {  	v5 =	vmul.f32 v4, v4;
	_ =	sdelay $0x1  }
0x3e: {  	v6 =	vmul.f32 $1.111111120e-01, v5;
	_ =	sdelay $0x1  }
0x3f: {  	v6 =	vadd.f32 $1.428571490e-01, v6;
	_ =	sdelay $0x1  }
0x40: {  	v6 =	vmul.f32 v6, v5;
	_ =	sdelay $0x1  }
0x41: {  	v6 =	vadd.f32 $2.000000030e-01, v6;
	_ =	sdelay $0x1  }
0x42: {  	v6 =	vmul.f32 v6, v5;
	_ =	sdelay $0x1  }
0x43: {  	v6 =	vadd.f32 $3.333333430e-01, v6;
	_ =	sdelay $0x1  }
0x44: {  	v7 =	vshra.s32 v3, $0x17;
	v8 =	vsel vm15, $0xFFFFFF82, v1;
	v5 =	vmul.f32 v6, v5  }
0x45: {  	v63 =	vadd.s32 v7, v8  }
0x46: {  	v4 =	vadd.f32 v4, v4;
	v6 =	vcvt.s32.f32 v63;
	v5 =	vadd.f32 $1.000000000e+00, v5;
	_ =	sdelay $0x1  }
0x47: {  	v4 =	vmul.f32 v5, v4;
	v5 =	vmul.f32 $6.931471820e-01, v6;
	_ =	sdelay $0x1  }
0x48: {  	v3 =	vsub.f32 $1.000000000e+00, v3;
	v4 =	vadd.f32 v4, v5;
	_ =	sdelay $0x1  }
0x49: {  	v3 =	vmul.f32 v3, v3;
	v4 =	vsub.f32 $0.0e+00, v4;
	_ =	sdelay $0x1  }
0x4a: {  	s31 =	simm.s32 $0x1;
	v3 =	vmul.f32 v4, v3  }
0x4b: {  	s15 =	sand.u32 $0x18, s31;
	s14 =	simm.s32 $0x2  }
.LBB2_3:
0x4c: {  	p0 =	sne.s32 s14, $0x1F;
	s15 =	sadd.s32 s12, s15;
	v2 =	vadd.f32 v3, v2;
	s13 =	sadd.s32 $0x10, s13  }
0x4d: {  	s16 =	sand.u32 $0x70, s13;
	s15 =	sshll.u32 s15, $0x7  }
0x4e: {  	s15 =	sor.u32 s16, s15;
	[tilespmem:$0x0] =	vst v2  }
0x4f: {  	v3 =	vld [tilespmem:s15+$0x80];
	_ =	sdelay $0x4  }
0x50: {  	v3 =	vsub.f32 $0.0e+00, v3;
	_ =	sdelay $0x1  }
0x51: {  	v3 =	vmul.f32 $1.442695020e+00, v3;
	_ =	sdelay $0x1  }
0x52: {  	(erf) = vpow2.f32 v3;
	_ =	sdelay $0x8  }
0x53: {  	v3 =	vpop (erf)  }
0x54: {  	v3 =	vadd.f32 $1.000000000e+00, v3;
	_ =	sdelay $0x1  }
0x55: {  	(erf) = vrcp.f32 v3;
	_ =	sdelay $0x5  }
0x56: {  	v3 =	vld [tilespmem:s15+$0x2080];
	_ =	sdelay $0x2  }
0x57: {  	v4 =	vpop (erf)  }
0x58: {  	v5 =	vsub.f32 $1.000000000e+00, v4  }
0x59: {  	vm0 =	veq.s32 v3, $0x1  }
0x5a: {  	v3 =	vsel vm0, v4, v5  }
0x5b: {  	v3 =	vmax.f32 v3, $9.999999930e-09  }
0x5c: {  	v3 =	vmin.f32 v3, $1.000000000e+00  }
0x5d: {  	v4 =	vand.u32 $0x7FFFFF, v3  }
0x5e: {  	v4 =	vor.u32 $0x3F800000, v4  }
0x5f: {  	v5 =	vmul.f32 $5.000000000e-01, v4  }
0x60: {  	vm0 =	vgt.f32 v4, $1.414213540e+00  }
0x61: {  	v4 =	vsel vm0, v5, v4  }
0x62: {  	v5 =	vadd.f32 $1.000000000e+00, v4;
	_ =	sdelay $0x1  }
0x63: {  	(erf) = vrcp.f32 v5;
	_ =	sdelay $0x7  }
0x64: {  	v4 =	vadd.f32 $-1.000000000e+00, v4  }
0x65: {  	v5 =	vpop (erf)  }
0x66: {  	v4 =	vmul.f32 v5, v4;
	_ =	sdelay $0x1  }
0x67: {  	v5 =	vmul.f32 v4, v4;
	_ =	sdelay $0x1  }
0x68: {  	v6 =	vmul.f32 $1.111111120e-01, v5;
	_ =	sdelay $0x1  }
0x69: {  	v6 =	vadd.f32 $1.428571490e-01, v6;
	_ =	sdelay $0x1  }
0x6a: {  	v6 =	vmul.f32 v6, v5;
	_ =	sdelay $0x1  }
0x6b: {  	v6 =	vadd.f32 $2.000000030e-01, v6;
	_ =	sdelay $0x1  }
0x6c: {  	v6 =	vmul.f32 v6, v5;
	_ =	sdelay $0x1  }
0x6d: {  	v6 =	vadd.f32 $3.333333430e-01, v6;
	_ =	sdelay $0x1  }
0x6e: {  	v7 =	vshra.s32 v3, $0x17;
	v8 =	vsel vm0, $0xFFFFFF82, v1;
	v5 =	vmul.f32 v6, v5  }
0x6f: {  	v6 =	vadd.s32 v7, v8  }
0x70: {  	v4 =	vadd.f32 v4, v4;
	v6 =	vcvt.s32.f32 v6;
	v5 =	vadd.f32 $1.000000000e+00, v5;
	_ =	sdelay $0x1  }
0x71: {  	v4 =	vmul.f32 v5, v4;
	v5 =	vmul.f32 $6.931471820e-01, v6;
	_ =	sdelay $0x1  }
0x72: {  	v3 =	vsub.f32 $1.000000000e+00, v3;
	v4 =	vadd.f32 v4, v5  }
.Ltmp0:
0x73: {  	(pc) =	sbr.rel @p0 .LBB2_3-.Ltmp0, $3  }
0x74: {  	v3 =	vmul.f32 v3, v3;
	v4 =	vsub.f32 $0.0e+00, v4;
	_ =	sdelay $0x1  }
0x75: {  	v3 =	vmul.f32 v4, v3  }
0x76: {  	s15 =	sand.u32 $0x18, s14;
	s14 =	sadd.s32 $0x1, s14  }
0x77: {  	s14 =	sadd.s32 s12, s15;
	v2 =	vadd.f32 v3, v2;
	s13 =	sadd.s32 $0x10, s13  }
0x78: {  	s13 =	sand.u32 $0x70, s13;
	s14 =	sshll.u32 s14, $0x7  }
0x79: {  	s13 =	sor.u32 s13, s14;
	[tilespmem:$0x0] =	vst v2  }
0x7a: {  	v3 =	vld [tilespmem:s13+$0x80];
	_ =	sdelay $0x4  }
0x7b: {  	v3 =	vsub.f32 $0.0e+00, v3;
	_ =	sdelay $0x1  }
0x7c: {  	v3 =	vmul.f32 $1.442695020e+00, v3;
	_ =	sdelay $0x1  }
0x7d: {  	(erf) = vpow2.f32 v3;
	_ =	sdelay $0x8  }
0x7e: {  	v3 =	vpop (erf)  }
0x7f: {  	v3 =	vadd.f32 $1.000000000e+00, v3;
	_ =	sdelay $0x1  }
0x80: {  	(erf) = vrcp.f32 v3;
	_ =	sdelay $0x5  }
0x81: {  	v3 =	vld [tilespmem:s13+$0x2080];
	_ =	sdelay $0x2  }
0x82: {  	v4 =	vpop (erf)  }
0x83: {  	v5 =	vsub.f32 $1.000000000e+00, v4  }
0x84: {  	vm0 =	veq.s32 v3, $0x1  }
0x85: {  	v3 =	vsel vm0, v4, v5  }
0x86: {  	v3 =	vmax.f32 v3, $9.999999930e-09  }
0x87: {  	v3 =	vmin.f32 v3, $1.000000000e+00  }
0x88: {  	v60 =	vand.u32 $0x7FFFFF, v3  }
0x89: {  	v4 =	vor.u32 $0x3F800000, v60  }
0x8a: {  	v61 =	vmul.f32 $5.000000000e-01, v4  }
0x8b: {  	vm15 =	vgt.f32 v4, $1.414213540e+00  }
0x8c: {  	v4 =	vsel vm15, v61, v4  }
0x8d: {  	v5 =	vadd.f32 $1.000000000e+00, v4;
	_ =	sdelay $0x1  }
0x8e: {  	(erf) = vrcp.f32 v5;
	_ =	sdelay $0x7  }
0x8f: {  	v4 =	vadd.f32 $-1.000000000e+00, v4  }
0x90: {  	v5 =	vpop (erf)  }
0x91: {  	v4 =	vmul.f32 v5, v4;
	_ =	sdelay $0x1  }
0x92: {  	v5 =	vmul.f32 v4, v4;
	_ =	sdelay $0x1  }
0x93: {  	v6 =	vmul.f32 $1.111111120e-01, v5;
	_ =	sdelay $0x1  }
0x94: {  	v6 =	vadd.f32 $1.428571490e-01, v6;
	_ =	sdelay $0x1  }
0x95: {  	v6 =	vmul.f32 v6, v5;
	_ =	sdelay $0x1  }
0x96: {  	v6 =	vadd.f32 $2.000000030e-01, v6;
	_ =	sdelay $0x1  }
0x97: {  	v6 =	vmul.f32 v6, v5;
	_ =	sdelay $0x1  }
0x98: {  	v6 =	vadd.f32 $3.333333430e-01, v6;
	_ =	sdelay $0x1  }
0x99: {  	v7 =	vshra.s32 v3, $0x17;
	v8 =	vsel vm15, $0xFFFFFF82, v1;
	v5 =	vmul.f32 v6, v5  }
0x9a: {  	v62 =	vadd.s32 v7, v8  }
0x9b: {  	v4 =	vadd.f32 v4, v4;
	v6 =	vcvt.s32.f32 v62;
	v5 =	vadd.f32 $1.000000000e+00, v5;
	_ =	sdelay $0x1  }
0x9c: {  	v63 =	vmul.f32 $6.931471820e-01, v6;
	v4 =	vmul.f32 v5, v4;
	_ =	sdelay $0x1  }
0x9d: {  	v3 =	vsub.f32 $1.000000000e+00, v3;
	v4 =	vadd.f32 v4, v63;
	_ =	sdelay $0x1  }
0x9e: {  	s12 =	sadd.s32 $0x1, s12;
	v3 =	vmul.f32 v3, v3;
	v4 =	vsub.f32 $0.0e+00, v4  }
0x9f: {  	p0 =	sne.s32 s12, $0x8  }
.Ltmp1:
0xa0: {  	v3 =	vmul.f32 v4, v3;
	(pc) =	sbr.rel @p0 .LBB2_2-.Ltmp1, $3  }
0xa1: {  	_ = 	snop  }
0xa2: {  	v2 =	vadd.f32 v3, v2;
	_ =	sdelay $0x1  }
0xa3: {  	[tilespmem:$0x0] =	vst v2  }
0xa4: {  	s11 =	sadd.s32 $0x1, s11  }
0xa5: {  	p0 =	sne.s32 s11, s6  }
.Ltmp2:
0xa6: {  	_ =	strace $0x9000004B;
	(pc) =	sbr.rel @p0 .LBB2_1-.Ltmp2, $4  }
0xa7: {  	[hbm4b:s5+s1] =	stream.linear.scatter [tilespmem:s1], [sflag:$0x1], $0x10, $0x38;
	[tilespmem:$0x4080] =	vst v63  }
0xa8: {  	_ =	swait.ge [sflag:s9], $0x10  }
0xa9: {  	[sflag:s9] =	ssyncset.done $0x0  }
0xaa: {  	[sflag:s9] =	ssyncadd.s32 $0xFFFFFFF0  }
0xab: {  	_ =	sfence.sel $0x180000  }
0xac: {  	[bflag:$0x0] =	sbarrier.arrive $0xFFFF  }
0xad: {  	p0 =	sne.s32 s2, $0x0;
	_ =	strace $0x90000047  }
0xae: {  	s0 =	sadd.s32 @!p0 $0x100000, s0;
	[bflag:$0x2] =	sbarrier.arrive $0xFFFF  }
0xaf: {  	[sflag:s0] =	ssyncadd.tile.s32 @!p0 $0x1;
	_ =	shalt  }
.Lfunc_end2:
_tile_overlayer_lowered:
.L_overlay_start_2:
0xb0: {  	(tag) =	ssettag $0x2  }
0xb1: {  	s0 =	rddreg [dreg:$0x0];
	s2 =	stileid.u32  }
0xb2: {  	s1 =	rddreg [dreg:$0x1];
	p0 =	sne.s32 s2, $0x0  }
0xb3: {  	s3 =	rddreg [dreg:$0x2];
	[bflag:$0x3] =	sbarrier.arrive $0xFFFF;
	s2 =	simm.s32 @!p0 $0x1C01  }
0xb4: {  	[timem:s3], [sflag:s2] =	dma.local @!p0 [hbm:s0], s1  }
0xb5: {  	s0 =	simm.s32 @!p0 $0x1  }
0xb6: {  	_ =	swait.ge @!p0 [sflag:s0], s1  }
0xb7: {  	s1 =	ssub.s32 @!p0 $0x0, s1;
	[sflag:s0] =	ssyncset.done @!p0 $0x0  }
0xb8: {  	[sflag:s0] =	ssyncadd.s32 @!p0 s1  }
0xb9: {  	[bflag:$0x3] =	sbarrier.arrive $0xFFFF  }
0xba: {  	_ =	shalt  }

</sc_bundles>
